<compile_context>
chip_gen: v7x
topology: tpu7x:2x2x1
jax: 0.10.2.dev20260603
libtpu: 0.0.44.dev20260713+nightly
codegen_flags: <defaults>
</compile_context>

<pallas_src>
import functools

import jax
import jax.numpy as jnp
from jax import lax
from jax.experimental import pallas as pl
from jax.experimental.pallas import tpu as pltpu
from jax.experimental.pallas import tpu_sc as plsc

N = 10000
E = 320000
D = 128

NC = 2
NS = 16
NW = NC * NS
NPAD = 10240

EPW = E // NW
NVEC = EPW // 16

K = 80
CCHUNK = 126
CAP = CCHUNK * K
NR = N // NC
NRP = 5120
RPT = NRP // NS

_MESH = plsc.VectorSubcoreMesh(core_axis_name="c", subcore_axis_name="s")


@functools.partial(
    pl.kernel,
    out_type=(
        jax.ShapeDtypeStruct((NW, NPAD), jnp.float32),
        jax.ShapeDtypeStruct((NW, NC, CAP), jnp.int32),
        jax.ShapeDtypeStruct((NW, NC, CAP), jnp.int32),
        jax.ShapeDtypeStruct((NC, NW, 16), jnp.int32),
    ),
    mesh=_MESH,
    scratch_types=[
        pltpu.VMEM((EPW,), jnp.int32),
        pltpu.VMEM((EPW,), jnp.int32),
        pltpu.VMEM((NPAD,), jnp.float32),
        pltpu.VMEM((CAP,), jnp.int32),
        pltpu.VMEM((CAP,), jnp.int32),
        pltpu.VMEM((CAP,), jnp.int32),
        pltpu.VMEM((CAP,), jnp.int32),
        pltpu.VMEM((16,), jnp.int32),
    ],
    compiler_params=pltpu.CompilerParams(needs_layout_passes=False),
)
def _deg_sc(src_hbm, dst_hbm, zeros_hbm, deg_out, csrc_out, cdst_out, nch_out,
            src_v, dst_v, hist_v, cs0, cs1, cd0, cd1, cnt_v):
    c = lax.axis_index("c")
    s = lax.axis_index("s")
    wid = s * NC + c
    pltpu.sync_copy(zeros_hbm, hist_v)
    pltpu.sync_copy(src_hbm.at[wid], src_v)
    pltpu.sync_copy(dst_hbm.at[wid], dst_v)
    ones16 = jnp.ones((16,), jnp.float32)

    def body(i, carry):
        o0, o1 = carry
        s16 = src_v[pl.ds(i * 16, 16)]
        d16 = dst_v[pl.ds(i * 16, 16)]
        plsc.addupdate_scatter(hist_v, [d16], ones16)
        m0 = d16 < NR
        dloc = jnp.where(m0, d16, d16 - NR)
        plsc.store_compressed(cs0.at[pl.ds(o0, 16)], s16, mask=m0)
        plsc.store_compressed(cd0.at[pl.ds(o0, 16)], dloc, mask=m0)
        m1 = jnp.logical_not(m0)
        plsc.store_compressed(cs1.at[pl.ds(o1, 16)], s16, mask=m1)
        plsc.store_compressed(cd1.at[pl.ds(o1, 16)], dloc, mask=m1)
        pc = plsc.all_reduce_population_count(m0)[0]
        return o0 + pc, o1 + (16 - pc)

    o0, o1 = lax.fori_loop(0, NVEC, body, (jnp.int32(0), jnp.int32(0)))

    zsrc = jnp.zeros((16,), jnp.int32)
    zdst = jnp.full((16,), NRP - 1, jnp.int32)
    for t in range(K // 16):
        cs0[pl.ds(o0 + t * 16, 16)] = zsrc
        cd0[pl.ds(o0 + t * 16, 16)] = zdst
        cs1[pl.ds(o1 + t * 16, 16)] = zsrc
        cd1[pl.ds(o1 + t * 16, 16)] = zdst

    n0 = (o0 + (K - 1)) // K
    n1 = (o1 + (K - 1)) // K
    ones16i = jnp.ones((16,), jnp.int32)

    pltpu.sync_copy(hist_v, deg_out.at[wid])
    pltpu.sync_copy(cs0, csrc_out.at[wid, 0])
    pltpu.sync_copy(cs1, csrc_out.at[wid, 1])
    pltpu.sync_copy(cd0, cdst_out.at[wid, 0])
    pltpu.sync_copy(cd1, cdst_out.at[wid, 1])
    cnt_v[...] = ones16i * n0
    pltpu.sync_copy(cnt_v, nch_out.at[0, wid])
    cnt_v[...] = ones16i * n1
    pltpu.sync_copy(cnt_v, nch_out.at[1, wid])


_R = 1000


def _dinv_body(d_ref, o_ref):
    ones = jnp.ones((NW, 1), jnp.float32)
    dsum = lax.dot_general(d_ref[...], ones, (((0,), (0,)), ((), ())),
                           preferred_element_type=jnp.float32)
    o_ref[...] = lax.rsqrt(dsum + 1.0)


_dinv_tc = pl.pallas_call(
    _dinv_body,
    out_shape=jax.ShapeDtypeStruct((NPAD, 1), jnp.float32),
)


def _y_body(x_ref, w_ref, d_ref, y_ref):
    xw = jnp.dot(x_ref[...], w_ref[...], preferred_element_type=jnp.float32)
    y_ref[...] = xw * d_ref[...]


_y_tc = pl.pallas_call(
    _y_body,
    grid=(N // _R,),
    in_specs=[
        pl.BlockSpec((_R, D), lambda i: (i, 0)),
        pl.BlockSpec((D, D), lambda i: (0, 0)),
        pl.BlockSpec((_R, 1), lambda i: (i, 0)),
    ],
    out_specs=pl.BlockSpec((_R, D), lambda i: (i, 0)),
    out_shape=jax.ShapeDtypeStruct((N, D), jnp.float32),
)


@functools.partial(
    pl.kernel,
    out_type=jax.ShapeDtypeStruct((NC, NRP, D), jnp.float32),
    mesh=_MESH,
    scratch_types=[
        pltpu.VMEM((CAP,), jnp.int32),
        pltpu.VMEM((CAP,), jnp.int32),
        pltpu.VMEM((16,), jnp.int32),
        pltpu.VMEM((K, D), jnp.float32),
        pltpu.VMEM((K, D), jnp.float32),
        pltpu.VMEM_SHARED((NRP, D), jnp.float32),
        pltpu.SemaphoreType.DMA,
        pltpu.SemaphoreType.DMA,
    ],
)
def _edge_sc(y_hbm, csrc_hbm, cdst_hbm, nch_hbm, zrow_hbm, out_hbm,
             src_v, dst_v, cnt_v, buf_a, buf_b, acc_sh, sem_a, sem_b):
    c = lax.axis_index("c")
    s = lax.axis_index("s")
    for i in range(RPT // 160):
        pltpu.sync_copy(zrow_hbm, acc_sh.at[pl.ds(s * RPT + i * 160, 160)])
    plsc.subcore_barrier()

    def run_bucket(w):
        pltpu.sync_copy(csrc_hbm.at[w, c], src_v)
        pltpu.sync_copy(cdst_hbm.at[w, c], dst_v)
        pltpu.sync_copy(nch_hbm.at[c, w], cnt_v)
        n = cnt_v[pl.ds(0, 16)][0]

        @pl.when(n > 0)
        def _():
            pltpu.async_copy(y_hbm.at[src_v.at[pl.ds(0, K)]], buf_a, sem_a)

            def body(jj, carry):
                j0 = jj * 2
                j1 = j0 + 1
                s0 = pl.ds(j0 * K, K)
                s1 = pl.ds(j1 * K, K)
                pltpu.async_copy(y_hbm.at[src_v.at[s1]], buf_b, sem_b)
                pltpu.make_async_copy(y_hbm.at[src_v.at[s0]], buf_a,
                                      sem_a).wait()
                pltpu.sync_copy(buf_a, acc_sh.at[dst_v.at[s0]], add=True)
                pltpu.async_copy(y_hbm.at[src_v.at[pl.ds((j0 + 2) * K, K)]],
                                 buf_a, sem_a)
                pltpu.make_async_copy(y_hbm.at[src_v.at[s1]], buf_b,
                                      sem_b).wait()
                pltpu.sync_copy(buf_b, acc_sh.at[dst_v.at[s1]], add=True)
                return carry

            lax.fori_loop(0, (n - 1) // 2, body, 0)

            m = n - 2 * ((n - 1) // 2)
            jt = n - m
            st = pl.ds(jt * K, K)
            sl = pl.ds((n - 1) * K, K)

            @pl.when(m == 2)
            def _():
                pltpu.async_copy(y_hbm.at[src_v.at[sl]], buf_b, sem_b)

            pltpu.make_async_copy(y_hbm.at[src_v.at[st]], buf_a, sem_a).wait()
            pltpu.sync_copy(buf_a, acc_sh.at[dst_v.at[st]], add=True)

            @pl.when(m == 2)
            def _():
                pltpu.make_async_copy(y_hbm.at[src_v.at[sl]], buf_b,
                                      sem_b).wait()
                pltpu.sync_copy(buf_b, acc_sh.at[dst_v.at[sl]], add=True)

    run_bucket(s * NC)
    run_bucket(s * NC + 1)

    plsc.subcore_barrier()
    for i in range(RPT // 160):
        r = s * RPT + i * 160
        pltpu.sync_copy(acc_sh.at[pl.ds(r, 160)],
                        out_hbm.at[c, pl.ds(r, 160)])


def _fin_body(a_ref, y_ref, d_ref, b_ref, o_ref):
    o_ref[...] = d_ref[...] * (a_ref[0] + y_ref[...]) + b_ref[...]


_fin_tc = pl.pallas_call(
    _fin_body,
    grid=(N // _R,),
    in_specs=[
        pl.BlockSpec((1, _R, D), lambda i: (i // 5, i % 5, 0)),
        pl.BlockSpec((_R, D), lambda i: (i, 0)),
        pl.BlockSpec((_R, 1), lambda i: (i, 0)),
        pl.BlockSpec((1, D), lambda i: (0, 0)),
    ],
    out_specs=pl.BlockSpec((_R, D), lambda i: (i, 0)),
    out_shape=jax.ShapeDtypeStruct((N, D), jnp.float32),
)


def kernel(x, edge_index, w, bias):
    src_p = edge_index[0].reshape(NW, EPW)
    dst_p = edge_index[1].reshape(NW, EPW)
    zeros_n = jnp.zeros((NPAD,), jnp.float32)
    zeros_row = jnp.zeros((160, D), jnp.float32)

    deg, csrc, cdst, nch = _deg_sc(src_p, dst_p, zeros_n)
    dinv = _dinv_tc(deg)
    y = _y_tc(x, w, dinv)
    acc = _edge_sc(y, csrc, cdst, nch, zeros_row)
    return _fin_tc(acc, y, dinv, bias.reshape(1, D))

# --- scband reference (transcript-rebuilt; emitter-appended) ---
"""Pipeline reference for scband-gcnconv-65944927863129 (READ-ONLY COPY).

The authoritative reference and input builder live on the scoring server;
editing this copy changes nothing except your own understanding.
"""

import jax, jax.numpy as jnp
import numpy as np

N_NODES = 10000
N_EDGES = 320000
D_FEAT = 128
D_OUT = 128

def setup_inputs(seed: int = 0):
    key = jax.random.key(seed)
    k1, k2, k3, k4 = jax.random.split(key, 4)
    x = jax.random.normal(k1, (N_NODES, D_FEAT), dtype=jnp.float32)
    edge_index = jax.random.randint(k2, (2, N_EDGES), 0, N_NODES, dtype=jnp.int32)
    w = jax.random.normal(k3, (D_FEAT, D_OUT), dtype=jnp.float32) * (1.0 / np.sqrt(D_FEAT))
    bias = jax.random.normal(k4, (D_OUT,), dtype=jnp.float32) * 0.01
    return {"x": x, "edge_index": edge_index, "w": w, "bias": bias}

def reference(x, edge_index, w, bias):
    # Canonical GCN layer (Kipf & Welling): out = D^{-1/2} (A + I) D^{-1/2} X W + b
    n = x.shape[0]
    loop = jnp.arange(n, dtype=edge_index.dtype)
    src = jnp.concatenate([edge_index[0], loop])
    dst = jnp.concatenate([edge_index[1], loop])
    deg = jnp.zeros((n,), x.dtype).at[dst].add(1.0)
    dinv = jax.lax.rsqrt(jnp.maximum(deg, 1.0))
    norm = dinv[src] * dinv[dst]
    xw = x @ w
    msgs = jnp.take(xw, src, axis=0) * norm[:, None]
    agg = jnp.zeros((n, xw.shape[1]), x.dtype).at[dst].add(msgs)
    return agg + bias

if __name__ == "__main__":
    import jax
    _d = setup_inputs()
    print(jax.jit(kernel)(*tuple(_d.values())))

</pallas_src>

<mosaic_0001>
#map = affine_map<(d0, d1) -> (0, 0)>
#map1 = affine_map<(d0, d1) -> (0, 0, 0)>
module attributes {stable_mosaic.version = 14 : i64} {
  func.func @_edge_sc(%arg0: i32, %arg1: i32, %arg2: memref<10000x128xf32, #tpu.memory_space<hbm>>, %arg3: memref<32x2x10080xi32, #tpu.memory_space<hbm>>, %arg4: memref<32x2x10080xi32, #tpu.memory_space<hbm>>, %arg5: memref<2x32x16xi32, #tpu.memory_space<hbm>>, %arg6: memref<160x128xf32, #tpu.memory_space<hbm>>, %arg7: memref<2x5120x128xf32, #tpu.memory_space<hbm>>, %arg8: memref<10080xi32, #tpu.memory_space<vmem>>, %arg9: memref<10080xi32, #tpu.memory_space<vmem>>, %arg10: memref<16xi32, #tpu.memory_space<vmem>>, %arg11: memref<80x128xf32, #tpu.memory_space<vmem>>, %arg12: memref<80x128xf32, #tpu.memory_space<vmem>>, %arg13: memref<5120x128xf32, #tpu.memory_space<vmem_shared>>, %arg14: memref<!tpu.dma_semaphore, #tpu.memory_space<semaphore_mem>>, %arg15: memref<!tpu.dma_semaphore, #tpu.memory_space<semaphore_mem>>) attributes {dimension_semantics = [#tpu.dimension_semantics<core_parallel>, #tpu.dimension_semantics<subcore_parallel>], iteration_bounds = array<i64: 2, 16>, scalar_prefetch = 0 : i64, scratch_operands = 8 : i64, tpu.core_type = #tpu.core_type<sc_vector_subcore>, window_params = [{transform_indices = #map}, {transform_indices = #map1}, {transform_indices = #map1}, {transform_indices = #map1}, {transform_indices = #map}, {transform_indices = #map1}]} {
    %mul3A = arith.constant 320 : i32
    %mul3A_0 = arith.muli %arg1, %mul3A : i32
    %add3A = arith.constant 0 : i32
    %add3A_1 = arith.addi %mul3A_0, %add3A : i32
    "tpu.region"() ({
      %run_scoped3A = tpu.sem_alloc : memref<!tpu.dma_semaphore, #tpu.memory_space<semaphore_mem>>
      %dma_start3A = arith.constant 0 : i32
      %dma_start3A_35 = tpu.memref_slice %arg13[%add3A_1, %dma_start3A] : memref<5120x128xf32, #tpu.memory_space<vmem_shared>> -> memref<160x128xf32, #tpu.memory_space<vmem_shared>>
      tpu.enqueue_dma source(%arg6 : memref<160x128xf32, #tpu.memory_space<hbm>>) target(%dma_start3A_35 : memref<160x128xf32, #tpu.memory_space<vmem_shared>>) target_semaphore(%run_scoped3A : memref<!tpu.dma_semaphore, #tpu.memory_space<semaphore_mem>>)
      %dma_wait3A = arith.constant 0 : i32
      %dma_wait3A_36 = tpu.memref_slice %arg13[%add3A_1, %dma_wait3A] : memref<5120x128xf32, #tpu.memory_space<vmem_shared>> -> memref<160x128xf32, #tpu.memory_space<vmem_shared>>
      tpu.wait_dma2 semaphore(%run_scoped3A : memref<!tpu.dma_semaphore, #tpu.memory_space<semaphore_mem>>) src(%arg6 : memref<160x128xf32, #tpu.memory_space<hbm>>) dst(%dma_wait3A_36 : memref<160x128xf32, #tpu.memory_space<vmem_shared>>)
      tpu.yield
    }) : () -> ()
    %mul3A_2 = arith.constant 320 : i32
    %mul3A_3 = arith.muli %arg1, %mul3A_2 : i32
    %add3A_4 = arith.constant 160 : i32
    %add3A_5 = arith.addi %mul3A_3, %add3A_4 : i32
    "tpu.region"() ({
      %run_scoped3A = tpu.sem_alloc : memref<!tpu.dma_semaphore, #tpu.memory_space<semaphore_mem>>
      %dma_start3A = arith.constant 0 : i32
      %dma_start3A_35 = tpu.memref_slice %arg13[%add3A_5, %dma_start3A] : memref<5120x128xf32, #tpu.memory_space<vmem_shared>> -> memref<160x128xf32, #tpu.memory_space<vmem_shared>>
      tpu.enqueue_dma source(%arg6 : memref<160x128xf32, #tpu.memory_space<hbm>>) target(%dma_start3A_35 : memref<160x128xf32, #tpu.memory_space<vmem_shared>>) target_semaphore(%run_scoped3A : memref<!tpu.dma_semaphore, #tpu.memory_space<semaphore_mem>>)
      %dma_wait3A = arith.constant 0 : i32
      %dma_wait3A_36 = tpu.memref_slice %arg13[%add3A_5, %dma_wait3A] : memref<5120x128xf32, #tpu.memory_space<vmem_shared>> -> memref<160x128xf32, #tpu.memory_space<vmem_shared>>
      tpu.wait_dma2 semaphore(%run_scoped3A : memref<!tpu.dma_semaphore, #tpu.memory_space<semaphore_mem>>) src(%arg6 : memref<160x128xf32, #tpu.memory_space<hbm>>) dst(%dma_wait3A_36 : memref<160x128xf32, #tpu.memory_space<vmem_shared>>)
      tpu.yield
    }) : () -> ()
    %barrier3A = arith.constant 0 : index
    tpu.barrier barrier_id(%barrier3A)
    %mul3A_6 = arith.constant 2 : i32
    %mul3A_7 = arith.muli %arg1, %mul3A_6 : i32
    "tpu.region"() ({
      %run_scoped3A = tpu.sem_alloc : memref<!tpu.dma_semaphore, #tpu.memory_space<semaphore_mem>>
      %dma_start3A = arith.constant 0 : i32
      %dma_start3A_35 = tpu.memref_slice %arg3[%mul3A_7, %arg0, %dma_start3A] : memref<32x2x10080xi32, #tpu.memory_space<hbm>> -> memref<1x1x10080xi32, #tpu.memory_space<hbm>>
      %dma_start3A_36 = tpu.memref_squeeze %dma_start3A_35 : memref<1x1x10080xi32, #tpu.memory_space<hbm>> -> memref<10080xi32, #tpu.memory_space<hbm>>
      %dma_start3A_37 = arith.constant 0 : i32
      %dma_start3A_38 = tpu.memref_slice %arg3[%mul3A_7, %arg0, %dma_start3A_37] : memref<32x2x10080xi32, #tpu.memory_space<hbm>> -> memref<1x1x10080xi32, #tpu.memory_space<hbm>>
      %dma_start3A_39 = tpu.memref_squeeze %dma_start3A_38 : memref<1x1x10080xi32, #tpu.memory_space<hbm>> -> memref<10080xi32, #tpu.memory_space<hbm>>
      tpu.enqueue_dma source(%dma_start3A_39 : memref<10080xi32, #tpu.memory_space<hbm>>) target(%arg8 : memref<10080xi32, #tpu.memory_space<vmem>>) target_semaphore(%run_scoped3A : memref<!tpu.dma_semaphore, #tpu.memory_space<semaphore_mem>>)
      %dma_wait3A = arith.constant 0 : i32
      %dma_wait3A_40 = tpu.memref_slice %arg3[%mul3A_7, %arg0, %dma_wait3A] : memref<32x2x10080xi32, #tpu.memory_space<hbm>> -> memref<1x1x10080xi32, #tpu.memory_space<hbm>>
      %dma_wait3A_41 = tpu.memref_squeeze %dma_wait3A_40 : memref<1x1x10080xi32, #tpu.memory_space<hbm>> -> memref<10080xi32, #tpu.memory_space<hbm>>
      %dma_wait3A_42 = arith.constant 0 : i32
      %dma_wait3A_43 = tpu.memref_slice %arg3[%mul3A_7, %arg0, %dma_wait3A_42] : memref<32x2x10080xi32, #tpu.memory_space<hbm>> -> memref<1x1x10080xi32, #tpu.memory_space<hbm>>
      %dma_wait3A_44 = tpu.memref_squeeze %dma_wait3A_43 : memref<1x1x10080xi32, #tpu.memory_space<hbm>> -> memref<10080xi32, #tpu.memory_space<hbm>>
      tpu.wait_dma2 semaphore(%run_scoped3A : memref<!tpu.dma_semaphore, #tpu.memory_space<semaphore_mem>>) src(%dma_wait3A_44 : memref<10080xi32, #tpu.memory_space<hbm>>) dst(%arg8 : memref<10080xi32, #tpu.memory_space<vmem>>)
      tpu.yield
    }) : () -> ()
    "tpu.region"() ({
      %run_scoped3A = tpu.sem_alloc : memref<!tpu.dma_semaphore, #tpu.memory_space<semaphore_mem>>
      %dma_start3A = arith.constant 0 : i32
      %dma_start3A_35 = tpu.memref_slice %arg4[%mul3A_7, %arg0, %dma_start3A] : memref<32x2x10080xi32, #tpu.memory_space<hbm>> -> memref<1x1x10080xi32, #tpu.memory_space<hbm>>
      %dma_start3A_36 = tpu.memref_squeeze %dma_start3A_35 : memref<1x1x10080xi32, #tpu.memory_space<hbm>> -> memref<10080xi32, #tpu.memory_space<hbm>>
      %dma_start3A_37 = arith.constant 0 : i32
      %dma_start3A_38 = tpu.memref_slice %arg4[%mul3A_7, %arg0, %dma_start3A_37] : memref<32x2x10080xi32, #tpu.memory_space<hbm>> -> memref<1x1x10080xi32, #tpu.memory_space<hbm>>
      %dma_start3A_39 = tpu.memref_squeeze %dma_start3A_38 : memref<1x1x10080xi32, #tpu.memory_space<hbm>> -> memref<10080xi32, #tpu.memory_space<hbm>>
      tpu.enqueue_dma source(%dma_start3A_39 : memref<10080xi32, #tpu.memory_space<hbm>>) target(%arg9 : memref<10080xi32, #tpu.memory_space<vmem>>) target_semaphore(%run_scoped3A : memref<!tpu.dma_semaphore, #tpu.memory_space<semaphore_mem>>)
      %dma_wait3A = arith.constant 0 : i32
      %dma_wait3A_40 = tpu.memref_slice %arg4[%mul3A_7, %arg0, %dma_wait3A] : memref<32x2x10080xi32, #tpu.memory_space<hbm>> -> memref<1x1x10080xi32, #tpu.memory_space<hbm>>
      %dma_wait3A_41 = tpu.memref_squeeze %dma_wait3A_40 : memref<1x1x10080xi32, #tpu.memory_space<hbm>> -> memref<10080xi32, #tpu.memory_space<hbm>>
      %dma_wait3A_42 = arith.constant 0 : i32
      %dma_wait3A_43 = tpu.memref_slice %arg4[%mul3A_7, %arg0, %dma_wait3A_42] : memref<32x2x10080xi32, #tpu.memory_space<hbm>> -> memref<1x1x10080xi32, #tpu.memory_space<hbm>>
      %dma_wait3A_44 = tpu.memref_squeeze %dma_wait3A_43 : memref<1x1x10080xi32, #tpu.memory_space<hbm>> -> memref<10080xi32, #tpu.memory_space<hbm>>
      tpu.wait_dma2 semaphore(%run_scoped3A : memref<!tpu.dma_semaphore, #tpu.memory_space<semaphore_mem>>) src(%dma_wait3A_44 : memref<10080xi32, #tpu.memory_space<hbm>>) dst(%arg9 : memref<10080xi32, #tpu.memory_space<vmem>>)
      tpu.yield
    }) : () -> ()
    "tpu.region"() ({
      %run_scoped3A = tpu.sem_alloc : memref<!tpu.dma_semaphore, #tpu.memory_space<semaphore_mem>>
      %dma_start3A = arith.constant 0 : i32
      %dma_start3A_35 = tpu.memref_slice %arg5[%arg0, %mul3A_7, %dma_start3A] : memref<2x32x16xi32, #tpu.memory_space<hbm>> -> memref<1x1x16xi32, #tpu.memory_space<hbm>>
      %dma_start3A_36 = tpu.memref_squeeze %dma_start3A_35 : memref<1x1x16xi32, #tpu.memory_space<hbm>> -> memref<16xi32, #tpu.memory_space<hbm>>
      %dma_start3A_37 = arith.constant 0 : i32
      %dma_start3A_38 = tpu.memref_slice %arg5[%arg0, %mul3A_7, %dma_start3A_37] : memref<2x32x16xi32, #tpu.memory_space<hbm>> -> memref<1x1x16xi32, #tpu.memory_space<hbm>>
      %dma_start3A_39 = tpu.memref_squeeze %dma_start3A_38 : memref<1x1x16xi32, #tpu.memory_space<hbm>> -> memref<16xi32, #tpu.memory_space<hbm>>
      tpu.enqueue_dma source(%dma_start3A_39 : memref<16xi32, #tpu.memory_space<hbm>>) target(%arg10 : memref<16xi32, #tpu.memory_space<vmem>>) target_semaphore(%run_scoped3A : memref<!tpu.dma_semaphore, #tpu.memory_space<semaphore_mem>>)
      %dma_wait3A = arith.constant 0 : i32
      %dma_wait3A_40 = tpu.memref_slice %arg5[%arg0, %mul3A_7, %dma_wait3A] : memref<2x32x16xi32, #tpu.memory_space<hbm>> -> memref<1x1x16xi32, #tpu.memory_space<hbm>>
      %dma_wait3A_41 = tpu.memref_squeeze %dma_wait3A_40 : memref<1x1x16xi32, #tpu.memory_space<hbm>> -> memref<16xi32, #tpu.memory_space<hbm>>
      %dma_wait3A_42 = arith.constant 0 : i32
      %dma_wait3A_43 = tpu.memref_slice %arg5[%arg0, %mul3A_7, %dma_wait3A_42] : memref<2x32x16xi32, #tpu.memory_space<hbm>> -> memref<1x1x16xi32, #tpu.memory_space<hbm>>
      %dma_wait3A_44 = tpu.memref_squeeze %dma_wait3A_43 : memref<1x1x16xi32, #tpu.memory_space<hbm>> -> memref<16xi32, #tpu.memory_space<hbm>>
      tpu.wait_dma2 semaphore(%run_scoped3A : memref<!tpu.dma_semaphore, #tpu.memory_space<semaphore_mem>>) src(%dma_wait3A_44 : memref<16xi32, #tpu.memory_space<hbm>>) dst(%arg10 : memref<16xi32, #tpu.memory_space<vmem>>)
      tpu.yield
    }) : () -> ()
    %get3A = arith.constant 0 : index
    %get3A_8 = tpu.vector_load %arg10[%get3A] {strides = array<i32>} : memref<16xi32, #tpu.memory_space<vmem>>, vector<16xi32>,
    %get3A_9 = vector.shape_cast %get3A_8 : vector<16xi32> to vector<16xi32>
    %slice3A = vector.extract_strided_slice %get3A_9 {offsets = [0], sizes = [1], strides = [1]} : vector<16xi32> to vector<1xi32>
    %squeeze3A = vector.extract %slice3A[0] : i32 from vector<1xi32>
    %gt3A = arith.constant 0 : i32
    %gt3A_10 = arith.cmpi sgt, %squeeze3A, %gt3A : i32
    %convert_element_type3A = arith.extui %gt3A_10 : i1 to i32
    %cond3A = arith.constant 0 : i32
    %cond3A_11 = arith.cmpi ne, %convert_element_type3A, %cond3A : i32
    scf.if %cond3A_11 {
      %dma_start3A = arith.constant 0 : i32
      %dma_start3A_35 = tpu.memref_slice %arg8[%dma_start3A] : memref<10080xi32, #tpu.memory_space<vmem>> -> memref<80xi32, #tpu.memory_space<vmem>>
      %dma_start3A_36 = arith.constant 0 : i32
      %dma_start3A_37 = arith.constant 0 : i32
      %dma_start3A_38 = tpu.memref_slice %arg2[%dma_start3A_36, %dma_start3A_37] : memref<10000x128xf32, #tpu.memory_space<hbm>> -> memref<10000x128xf32, #tpu.memory_space<hbm>>
      tpu.enqueue_indirect_dma source(%dma_start3A_38 : memref<10000x128xf32, #tpu.memory_space<hbm>>) target(%arg11 : memref<80x128xf32, #tpu.memory_space<vmem>>) offsets(%dma_start3A_35 : memref<80xi32, #tpu.memory_space<vmem>>) semaphore(%arg14 : memref<!tpu.dma_semaphore, #tpu.memory_space<semaphore_mem>>)
      %sub3A = arith.constant 1 : i32
      %sub3A_39 = arith.subi %squeeze3A, %sub3A : i32
      %jit3A = arith.constant 2 : i32
      %div3A = arith.divsi %sub3A_39, %jit3A : i32
      %sign3A = arith.constant 0 : i32
      %sign3A_40 = arith.cmpi sgt, %sub3A_39, %sign3A : i32
      %sign3A_41 = arith.extui %sign3A_40 : i1 to i32
      %sign3A_42 = arith.constant 0 : i32
      %sign3A_43 = arith.cmpi slt, %sub3A_39, %sign3A_42 : i32
      %sign3A_44 = arith.extui %sign3A_43 : i1 to i32
      %sign3A_45 = arith.subi %sign3A_41, %sign3A_44 : i32
      %sign3A_46 = arith.constant 0 : i32
      %sign3A_47 = arith.cmpi sgt, %jit3A, %sign3A_46 : i32
      %sign3A_48 = arith.extui %sign3A_47 : i1 to i32
      %sign3A_49 = arith.constant 0 : i32
      %sign3A_50 = arith.cmpi slt, %jit3A, %sign3A_49 : i32
      %sign3A_51 = arith.extui %sign3A_50 : i1 to i32
      %sign3A_52 = arith.subi %sign3A_48, %sign3A_51 : i32
      %ne3A = arith.cmpi ne, %sign3A_45, %sign3A_52 : i32
      %rem3A = arith.remsi %sub3A_39, %jit3A : i32
      %ne3A_53 = arith.constant 0 : i32
      %ne3A_54 = arith.cmpi ne, %rem3A, %ne3A_53 : i32
      %and3A = arith.andi %ne3A, %ne3A_54 : i1
      %sub3A_55 = arith.constant 1 : i32
      %sub3A_56 = arith.subi %div3A, %sub3A_55 : i32
      %select_n3A = arith.select %and3A, %sub3A_56, %div3A : i32
      %while3A = arith.constant 0 : i32
      %while3A_57 = arith.constant 0 : i32
      %while3A_58 = arith.subi %select_n3A, %while3A_57 : i32
      %while3A_59 = arith.addi %while3A_57, %while3A_58 : i32
      %while3A_60 = arith.constant 1 : i32
      %while3A_61 = arith.divsi %while3A_58, %while3A_60 : i32
      %while3A_62 = arith.muli %while3A_61, %while3A_60 : i32
      %while3A_63 = arith.addi %while3A_57, %while3A_62 : i32
      %while3A_64 = arith.constant 1 : i32
      scf.for %while3A_114 = %while3A_57 to %while3A_63 step %while3A_64  : i32 {
        %mul3A_115 = arith.constant 2 : i32
        %mul3A_116 = arith.muli %while3A_114, %mul3A_115 : i32
        %add3A_117 = arith.constant 1 : i32
        %add3A_118 = arith.addi %mul3A_116, %add3A_117 : i32
        %mul3A_119 = arith.constant 80 : i32
        %mul3A_120 = arith.muli %mul3A_116, %mul3A_119 : i32
        %mul3A_121 = arith.constant 80 : i32
        %mul3A_122 = arith.muli %add3A_118, %mul3A_121 : i32
        %dma_start3A_123 = tpu.memref_slice %arg8[%mul3A_122] : memref<10080xi32, #tpu.memory_space<vmem>> -> memref<80xi32, #tpu.memory_space<vmem>>
        %dma_start3A_124 = arith.constant 0 : i32
        %dma_start3A_125 = arith.constant 0 : i32
        %dma_start3A_126 = tpu.memref_slice %arg2[%dma_start3A_124, %dma_start3A_125] : memref<10000x128xf32, #tpu.memory_space<hbm>> -> memref<10000x128xf32, #tpu.memory_space<hbm>>
        tpu.enqueue_indirect_dma source(%dma_start3A_126 : memref<10000x128xf32, #tpu.memory_space<hbm>>) target(%arg12 : memref<80x128xf32, #tpu.memory_space<vmem>>) offsets(%dma_start3A_123 : memref<80xi32, #tpu.memory_space<vmem>>) semaphore(%arg15 : memref<!tpu.dma_semaphore, #tpu.memory_space<semaphore_mem>>)
        %dma_wait3A_127 = tpu.memref_slice %arg8[%mul3A_120] : memref<10080xi32, #tpu.memory_space<vmem>> -> memref<80xi32, #tpu.memory_space<vmem>>
        %dma_wait3A_128 = arith.constant 0 : i32
        %dma_wait3A_129 = arith.constant 0 : i32
        %dma_wait3A_130 = tpu.memref_slice %arg2[%dma_wait3A_128, %dma_wait3A_129] : memref<10000x128xf32, #tpu.memory_space<hbm>> -> memref<10000x128xf32, #tpu.memory_space<hbm>>
        tpu.wait_indirect_dma semaphore(%arg14 : memref<!tpu.dma_semaphore, #tpu.memory_space<semaphore_mem>>) src(%dma_wait3A_130 : memref<10000x128xf32, #tpu.memory_space<hbm>>) dst(%arg11 : memref<80x128xf32, #tpu.memory_space<vmem>>)
        "tpu.region"() ({
          %run_scoped3A = tpu.sem_alloc : memref<!tpu.dma_semaphore, #tpu.memory_space<semaphore_mem>>
          %dma_start3A_143 = tpu.memref_slice %arg9[%mul3A_120] : memref<10080xi32, #tpu.memory_space<vmem>> -> memref<80xi32, #tpu.memory_space<vmem>>
          %dma_start3A_144 = arith.constant 0 : i32
          %dma_start3A_145 = arith.constant 0 : i32
          %dma_start3A_146 = tpu.memref_slice %arg13[%dma_start3A_144, %dma_start3A_145] : memref<5120x128xf32, #tpu.memory_space<vmem_shared>> -> memref<5120x128xf32, #tpu.memory_space<vmem_shared>>
          tpu.enqueue_indirect_dma source(%arg11 : memref<80x128xf32, #tpu.memory_space<vmem>>) target(%dma_start3A_146 : memref<5120x128xf32, #tpu.memory_space<vmem_shared>>) offsets(%dma_start3A_143 : memref<80xi32, #tpu.memory_space<vmem>>) semaphore(%run_scoped3A : memref<!tpu.dma_semaphore, #tpu.memory_space<semaphore_mem>>) {add = true}
          %dma_wait3A_147 = tpu.memref_slice %arg9[%mul3A_120] : memref<10080xi32, #tpu.memory_space<vmem>> -> memref<80xi32, #tpu.memory_space<vmem>>
          %dma_wait3A_148 = arith.constant 0 : i32
          %dma_wait3A_149 = arith.constant 0 : i32
          %dma_wait3A_150 = tpu.memref_slice %arg13[%dma_wait3A_148, %dma_wait3A_149] : memref<5120x128xf32, #tpu.memory_space<vmem_shared>> -> memref<5120x128xf32, #tpu.memory_space<vmem_shared>>
          tpu.wait_indirect_dma semaphore(%run_scoped3A : memref<!tpu.dma_semaphore, #tpu.memory_space<semaphore_mem>>) src(%arg11 : memref<80x128xf32, #tpu.memory_space<vmem>>) dst(%dma_wait3A_150 : memref<5120x128xf32, #tpu.memory_space<vmem_shared>>)
          tpu.yield
        }) : () -> ()
        %add3A_131 = arith.constant 2 : i32
        %add3A_132 = arith.addi %mul3A_116, %add3A_131 : i32
        %mul3A_133 = arith.constant 80 : i32
        %mul3A_134 = arith.muli %add3A_132, %mul3A_133 : i32
        %dma_start3A_135 = tpu.memref_slice %arg8[%mul3A_134] : memref<10080xi32, #tpu.memory_space<vmem>> -> memref<80xi32, #tpu.memory_space<vmem>>
        %dma_start3A_136 = arith.constant 0 : i32
        %dma_start3A_137 = arith.constant 0 : i32
        %dma_start3A_138 = tpu.memref_slice %arg2[%dma_start3A_136, %dma_start3A_137] : memref<10000x128xf32, #tpu.memory_space<hbm>> -> memref<10000x128xf32, #tpu.memory_space<hbm>>
        tpu.enqueue_indirect_dma source(%dma_start3A_138 : memref<10000x128xf32, #tpu.memory_space<hbm>>) target(%arg11 : memref<80x128xf32, #tpu.memory_space<vmem>>) offsets(%dma_start3A_135 : memref<80xi32, #tpu.memory_space<vmem>>) semaphore(%arg14 : memref<!tpu.dma_semaphore, #tpu.memory_space<semaphore_mem>>)
        %dma_wait3A_139 = tpu.memref_slice %arg8[%mul3A_122] : memref<10080xi32, #tpu.memory_space<vmem>> -> memref<80xi32, #tpu.memory_space<vmem>>
        %dma_wait3A_140 = arith.constant 0 : i32
        %dma_wait3A_141 = arith.constant 0 : i32
        %dma_wait3A_142 = tpu.memref_slice %arg2[%dma_wait3A_140, %dma_wait3A_141] : memref<10000x128xf32, #tpu.memory_space<hbm>> -> memref<10000x128xf32, #tpu.memory_space<hbm>>
        tpu.wait_indirect_dma semaphore(%arg15 : memref<!tpu.dma_semaphore, #tpu.memory_space<semaphore_mem>>) src(%dma_wait3A_142 : memref<10000x128xf32, #tpu.memory_space<hbm>>) dst(%arg12 : memref<80x128xf32, #tpu.memory_space<vmem>>)
        "tpu.region"() ({
          %run_scoped3A = tpu.sem_alloc : memref<!tpu.dma_semaphore, #tpu.memory_space<semaphore_mem>>
          %dma_start3A_143 = tpu.memref_slice %arg9[%mul3A_122] : memref<10080xi32, #tpu.memory_space<vmem>> -> memref<80xi32, #tpu.memory_space<vmem>>
          %dma_start3A_144 = arith.constant 0 : i32
          %dma_start3A_145 = arith.constant 0 : i32
          %dma_start3A_146 = tpu.memref_slice %arg13[%dma_start3A_144, %dma_start3A_145] : memref<5120x128xf32, #tpu.memory_space<vmem_shared>> -> memref<5120x128xf32, #tpu.memory_space<vmem_shared>>
          tpu.enqueue_indirect_dma source(%arg12 : memref<80x128xf32, #tpu.memory_space<vmem>>) target(%dma_start3A_146 : memref<5120x128xf32, #tpu.memory_space<vmem_shared>>) offsets(%dma_start3A_143 : memref<80xi32, #tpu.memory_space<vmem>>) semaphore(%run_scoped3A : memref<!tpu.dma_semaphore, #tpu.memory_space<semaphore_mem>>) {add = true}
          %dma_wait3A_147 = tpu.memref_slice %arg9[%mul3A_122] : memref<10080xi32, #tpu.memory_space<vmem>> -> memref<80xi32, #tpu.memory_space<vmem>>
          %dma_wait3A_148 = arith.constant 0 : i32
          %dma_wait3A_149 = arith.constant 0 : i32
          %dma_wait3A_150 = tpu.memref_slice %arg13[%dma_wait3A_148, %dma_wait3A_149] : memref<5120x128xf32, #tpu.memory_space<vmem_shared>> -> memref<5120x128xf32, #tpu.memory_space<vmem_shared>>
          tpu.wait_indirect_dma semaphore(%run_scoped3A : memref<!tpu.dma_semaphore, #tpu.memory_space<semaphore_mem>>) src(%arg12 : memref<80x128xf32, #tpu.memory_space<vmem>>) dst(%dma_wait3A_150 : memref<5120x128xf32, #tpu.memory_space<vmem_shared>>)
          tpu.yield
        }) : () -> ()
      }
      %while3A_65 = arith.constant 1 : i32
      scf.for %while3A_114 = %while3A_63 to %while3A_59 step %while3A_65  : i32 {
        %mul3A_115 = arith.constant 2 : i32
        %mul3A_116 = arith.muli %while3A_114, %mul3A_115 : i32
        %add3A_117 = arith.constant 1 : i32
        %add3A_118 = arith.addi %mul3A_116, %add3A_117 : i32
        %mul3A_119 = arith.constant 80 : i32
        %mul3A_120 = arith.muli %mul3A_116, %mul3A_119 : i32
        %mul3A_121 = arith.constant 80 : i32
        %mul3A_122 = arith.muli %add3A_118, %mul3A_121 : i32
        %dma_start3A_123 = tpu.memref_slice %arg8[%mul3A_122] : memref<10080xi32, #tpu.memory_space<vmem>> -> memref<80xi32, #tpu.memory_space<vmem>>
        %dma_start3A_124 = arith.constant 0 : i32
        %dma_start3A_125 = arith.constant 0 : i32
        %dma_start3A_126 = tpu.memref_slice %arg2[%dma_start3A_124, %dma_start3A_125] : memref<10000x128xf32, #tpu.memory_space<hbm>> -> memref<10000x128xf32, #tpu.memory_space<hbm>>
        tpu.enqueue_indirect_dma source(%dma_start3A_126 : memref<10000x128xf32, #tpu.memory_space<hbm>>) target(%arg12 : memref<80x128xf32, #tpu.memory_space<vmem>>) offsets(%dma_start3A_123 : memref<80xi32, #tpu.memory_space<vmem>>) semaphore(%arg15 : memref<!tpu.dma_semaphore, #tpu.memory_space<semaphore_mem>>)
        %dma_wait3A_127 = tpu.memref_slice %arg8[%mul3A_120] : memref<10080xi32, #tpu.memory_space<vmem>> -> memref<80xi32, #tpu.memory_space<vmem>>
        %dma_wait3A_128 = arith.constant 0 : i32
        %dma_wait3A_129 = arith.constant 0 : i32
        %dma_wait3A_130 = tpu.memref_slice %arg2[%dma_wait3A_128, %dma_wait3A_129] : memref<10000x128xf32, #tpu.memory_space<hbm>> -> memref<10000x128xf32, #tpu.memory_space<hbm>>
        tpu.wait_indirect_dma semaphore(%arg14 : memref<!tpu.dma_semaphore, #tpu.memory_space<semaphore_mem>>) src(%dma_wait3A_130 : memref<10000x128xf32, #tpu.memory_space<hbm>>) dst(%arg11 : memref<80x128xf32, #tpu.memory_space<vmem>>)
        "tpu.region"() ({
          %run_scoped3A = tpu.sem_alloc : memref<!tpu.dma_semaphore, #tpu.memory_space<semaphore_mem>>
          %dma_start3A_143 = tpu.memref_slice %arg9[%mul3A_120] : memref<10080xi32, #tpu.memory_space<vmem>> -> memref<80xi32, #tpu.memory_space<vmem>>
          %dma_start3A_144 = arith.constant 0 : i32
          %dma_start3A_145 = arith.constant 0 : i32
          %dma_start3A_146 = tpu.memref_slice %arg13[%dma_start3A_144, %dma_start3A_145] : memref<5120x128xf32, #tpu.memory_space<vmem_shared>> -> memref<5120x128xf32, #tpu.memory_space<vmem_shared>>
          tpu.enqueue_indirect_dma source(%arg11 : memref<80x128xf32, #tpu.memory_space<vmem>>) target(%dma_start3A_146 : memref<5120x128xf32, #tpu.memory_space<vmem_shared>>) offsets(%dma_start3A_143 : memref<80xi32, #tpu.memory_space<vmem>>) semaphore(%run_scoped3A : memref<!tpu.dma_semaphore, #tpu.memory_space<semaphore_mem>>) {add = true}
          %dma_wait3A_147 = tpu.memref_slice %arg9[%mul3A_120] : memref<10080xi32, #tpu.memory_space<vmem>> -> memref<80xi32, #tpu.memory_space<vmem>>
          %dma_wait3A_148 = arith.constant 0 : i32
          %dma_wait3A_149 = arith.constant 0 : i32
          %dma_wait3A_150 = tpu.memref_slice %arg13[%dma_wait3A_148, %dma_wait3A_149] : memref<5120x128xf32, #tpu.memory_space<vmem_shared>> -> memref<5120x128xf32, #tpu.memory_space<vmem_shared>>
          tpu.wait_indirect_dma semaphore(%run_scoped3A : memref<!tpu.dma_semaphore, #tpu.memory_space<semaphore_mem>>) src(%arg11 : memref<80x128xf32, #tpu.memory_space<vmem>>) dst(%dma_wait3A_150 : memref<5120x128xf32, #tpu.memory_space<vmem_shared>>)
          tpu.yield
        }) : () -> ()
        %add3A_131 = arith.constant 2 : i32
        %add3A_132 = arith.addi %mul3A_116, %add3A_131 : i32
        %mul3A_133 = arith.constant 80 : i32
        %mul3A_134 = arith.muli %add3A_132, %mul3A_133 : i32
        %dma_start3A_135 = tpu.memref_slice %arg8[%mul3A_134] : memref<10080xi32, #tpu.memory_space<vmem>> -> memref<80xi32, #tpu.memory_space<vmem>>
        %dma_start3A_136 = arith.constant 0 : i32
        %dma_start3A_137 = arith.constant 0 : i32
        %dma_start3A_138 = tpu.memref_slice %arg2[%dma_start3A_136, %dma_start3A_137] : memref<10000x128xf32, #tpu.memory_space<hbm>> -> memref<10000x128xf32, #tpu.memory_space<hbm>>
        tpu.enqueue_indirect_dma source(%dma_start3A_138 : memref<10000x128xf32, #tpu.memory_space<hbm>>) target(%arg11 : memref<80x128xf32, #tpu.memory_space<vmem>>) offsets(%dma_start3A_135 : memref<80xi32, #tpu.memory_space<vmem>>) semaphore(%arg14 : memref<!tpu.dma_semaphore, #tpu.memory_space<semaphore_mem>>)
        %dma_wait3A_139 = tpu.memref_slice %arg8[%mul3A_122] : memref<10080xi32, #tpu.memory_space<vmem>> -> memref<80xi32, #tpu.memory_space<vmem>>
        %dma_wait3A_140 = arith.constant 0 : i32
        %dma_wait3A_141 = arith.constant 0 : i32
        %dma_wait3A_142 = tpu.memref_slice %arg2[%dma_wait3A_140, %dma_wait3A_141] : memref<10000x128xf32, #tpu.memory_space<hbm>> -> memref<10000x128xf32, #tpu.memory_space<hbm>>
        tpu.wait_indirect_dma semaphore(%arg15 : memref<!tpu.dma_semaphore, #tpu.memory_space<semaphore_mem>>) src(%dma_wait3A_142 : memref<10000x128xf32, #tpu.memory_space<hbm>>) dst(%arg12 : memref<80x128xf32, #tpu.memory_space<vmem>>)
        "tpu.region"() ({
          %run_scoped3A = tpu.sem_alloc : memref<!tpu.dma_semaphore, #tpu.memory_space<semaphore_mem>>
          %dma_start3A_143 = tpu.memref_slice %arg9[%mul3A_122] : memref<10080xi32, #tpu.memory_space<vmem>> -> memref<80xi32, #tpu.memory_space<vmem>>
          %dma_start3A_144 = arith.constant 0 : i32
          %dma_start3A_145 = arith.constant 0 : i32
          %dma_start3A_146 = tpu.memref_slice %arg13[%dma_start3A_144, %dma_start3A_145] : memref<5120x128xf32, #tpu.memory_space<vmem_shared>> -> memref<5120x128xf32, #tpu.memory_space<vmem_shared>>
          tpu.enqueue_indirect_dma source(%arg12 : memref<80x128xf32, #tpu.memory_space<vmem>>) target(%dma_start3A_146 : memref<5120x128xf32, #tpu.memory_space<vmem_shared>>) offsets(%dma_start3A_143 : memref<80xi32, #tpu.memory_space<vmem>>) semaphore(%run_scoped3A : memref<!tpu.dma_semaphore, #tpu.memory_space<semaphore_mem>>) {add = true}
          %dma_wait3A_147 = tpu.memref_slice %arg9[%mul3A_122] : memref<10080xi32, #tpu.memory_space<vmem>> -> memref<80xi32, #tpu.memory_space<vmem>>
          %dma_wait3A_148 = arith.constant 0 : i32
          %dma_wait3A_149 = arith.constant 0 : i32
          %dma_wait3A_150 = tpu.memref_slice %arg13[%dma_wait3A_148, %dma_wait3A_149] : memref<5120x128xf32, #tpu.memory_space<vmem_shared>> -> memref<5120x128xf32, #tpu.memory_space<vmem_shared>>
          tpu.wait_indirect_dma semaphore(%run_scoped3A : memref<!tpu.dma_semaphore, #tpu.memory_space<semaphore_mem>>) src(%arg12 : memref<80x128xf32, #tpu.memory_space<vmem>>) dst(%dma_wait3A_150 : memref<5120x128xf32, #tpu.memory_space<vmem_shared>>)
          tpu.yield
        }) : () -> ()
      }
      %sub3A_66 = arith.constant 1 : i32
      %sub3A_67 = arith.subi %squeeze3A, %sub3A_66 : i32
      %jit3A_68 = arith.constant 2 : i32
      %div3A_69 = arith.divsi %sub3A_67, %jit3A_68 : i32
      %sign3A_70 = arith.constant 0 : i32
      %sign3A_71 = arith.cmpi sgt, %sub3A_67, %sign3A_70 : i32
      %sign3A_72 = arith.extui %sign3A_71 : i1 to i32
      %sign3A_73 = arith.constant 0 : i32
      %sign3A_74 = arith.cmpi slt, %sub3A_67, %sign3A_73 : i32
      %sign3A_75 = arith.extui %sign3A_74 : i1 to i32
      %sign3A_76 = arith.subi %sign3A_72, %sign3A_75 : i32
      %sign3A_77 = arith.constant 0 : i32
      %sign3A_78 = arith.cmpi sgt, %jit3A_68, %sign3A_77 : i32
      %sign3A_79 = arith.extui %sign3A_78 : i1 to i32
      %sign3A_80 = arith.constant 0 : i32
      %sign3A_81 = arith.cmpi slt, %jit3A_68, %sign3A_80 : i32
      %sign3A_82 = arith.extui %sign3A_81 : i1 to i32
      %sign3A_83 = arith.subi %sign3A_79, %sign3A_82 : i32
      %ne3A_84 = arith.cmpi ne, %sign3A_76, %sign3A_83 : i32
      %rem3A_85 = arith.remsi %sub3A_67, %jit3A_68 : i32
      %ne3A_86 = arith.constant 0 : i32
      %ne3A_87 = arith.cmpi ne, %rem3A_85, %ne3A_86 : i32
      %and3A_88 = arith.andi %ne3A_84, %ne3A_87 : i1
      %sub3A_89 = arith.constant 1 : i32
      %sub3A_90 = arith.subi %div3A_69, %sub3A_89 : i32
      %select_n3A_91 = arith.select %and3A_88, %sub3A_90, %div3A_69 : i32
      %mul3A_92 = arith.constant 2 : i32
      %mul3A_93 = arith.muli %mul3A_92, %select_n3A_91 : i32
      %sub3A_94 = arith.subi %squeeze3A, %mul3A_93 : i32
      %sub3A_95 = arith.subi %squeeze3A, %sub3A_94 : i32
      %mul3A_96 = arith.constant 80 : i32
      %mul3A_97 = arith.muli %sub3A_95, %mul3A_96 : i32
      %sub3A_98 = arith.constant 1 : i32
      %sub3A_99 = arith.subi %squeeze3A, %sub3A_98 : i32
      %mul3A_100 = arith.constant 80 : i32
      %mul3A_101 = arith.muli %sub3A_99, %mul3A_100 : i32
      %eq3A = arith.constant 2 : i32
      %eq3A_102 = arith.cmpi eq, %sub3A_94, %eq3A : i32
      %convert_element_type3A_103 = arith.extui %eq3A_102 : i1 to i32
      %cond3A_104 = arith.constant 0 : i32
      %cond3A_105 = arith.cmpi ne, %convert_element_type3A_103, %cond3A_104 : i32
      scf.if %cond3A_105 {
        %dma_start3A_114 = tpu.memref_slice %arg8[%mul3A_101] : memref<10080xi32, #tpu.memory_space<vmem>> -> memref<80xi32, #tpu.memory_space<vmem>>
        %dma_start3A_115 = arith.constant 0 : i32
        %dma_start3A_116 = arith.constant 0 : i32
        %dma_start3A_117 = tpu.memref_slice %arg2[%dma_start3A_115, %dma_start3A_116] : memref<10000x128xf32, #tpu.memory_space<hbm>> -> memref<10000x128xf32, #tpu.memory_space<hbm>>
        tpu.enqueue_indirect_dma source(%dma_start3A_117 : memref<10000x128xf32, #tpu.memory_space<hbm>>) target(%arg12 : memref<80x128xf32, #tpu.memory_space<vmem>>) offsets(%dma_start3A_114 : memref<80xi32, #tpu.memory_space<vmem>>) semaphore(%arg15 : memref<!tpu.dma_semaphore, #tpu.memory_space<semaphore_mem>>)
      } else {
      }
      %dma_wait3A = tpu.memref_slice %arg8[%mul3A_97] : memref<10080xi32, #tpu.memory_space<vmem>> -> memref<80xi32, #tpu.memory_space<vmem>>
      %dma_wait3A_106 = arith.constant 0 : i32
      %dma_wait3A_107 = arith.constant 0 : i32
      %dma_wait3A_108 = tpu.memref_slice %arg2[%dma_wait3A_106, %dma_wait3A_107] : memref<10000x128xf32, #tpu.memory_space<hbm>> -> memref<10000x128xf32, #tpu.memory_space<hbm>>
      tpu.wait_indirect_dma semaphore(%arg14 : memref<!tpu.dma_semaphore, #tpu.memory_space<semaphore_mem>>) src(%dma_wait3A_108 : memref<10000x128xf32, #tpu.memory_space<hbm>>) dst(%arg11 : memref<80x128xf32, #tpu.memory_space<vmem>>)
      "tpu.region"() ({
        %run_scoped3A = tpu.sem_alloc : memref<!tpu.dma_semaphore, #tpu.memory_space<semaphore_mem>>
        %dma_start3A_114 = tpu.memref_slice %arg9[%mul3A_97] : memref<10080xi32, #tpu.memory_space<vmem>> -> memref<80xi32, #tpu.memory_space<vmem>>
        %dma_start3A_115 = arith.constant 0 : i32
        %dma_start3A_116 = arith.constant 0 : i32
        %dma_start3A_117 = tpu.memref_slice %arg13[%dma_start3A_115, %dma_start3A_116] : memref<5120x128xf32, #tpu.memory_space<vmem_shared>> -> memref<5120x128xf32, #tpu.memory_space<vmem_shared>>
        tpu.enqueue_indirect_dma source(%arg11 : memref<80x128xf32, #tpu.memory_space<vmem>>) target(%dma_start3A_117 : memref<5120x128xf32, #tpu.memory_space<vmem_shared>>) offsets(%dma_start3A_114 : memref<80xi32, #tpu.memory_space<vmem>>) semaphore(%run_scoped3A : memref<!tpu.dma_semaphore, #tpu.memory_space<semaphore_mem>>) {add = true}
        %dma_wait3A_118 = tpu.memref_slice %arg9[%mul3A_97] : memref<10080xi32, #tpu.memory_space<vmem>> -> memref<80xi32, #tpu.memory_space<vmem>>
        %dma_wait3A_119 = arith.constant 0 : i32
        %dma_wait3A_120 = arith.constant 0 : i32
        %dma_wait3A_121 = tpu.memref_slice %arg13[%dma_wait3A_119, %dma_wait3A_120] : memref<5120x128xf32, #tpu.memory_space<vmem_shared>> -> memref<5120x128xf32, #tpu.memory_space<vmem_shared>>
        tpu.wait_indirect_dma semaphore(%run_scoped3A : memref<!tpu.dma_semaphore, #tpu.memory_space<semaphore_mem>>) src(%arg11 : memref<80x128xf32, #tpu.memory_space<vmem>>) dst(%dma_wait3A_121 : memref<5120x128xf32, #tpu.memory_space<vmem_shared>>)
        tpu.yield
      }) : () -> ()
      %eq3A_109 = arith.constant 2 : i32
      %eq3A_110 = arith.cmpi eq, %sub3A_94, %eq3A_109 : i32
      %convert_element_type3A_111 = arith.extui %eq3A_110 : i1 to i32
      %cond3A_112 = arith.constant 0 : i32
      %cond3A_113 = arith.cmpi ne, %convert_element_type3A_111, %cond3A_112 : i32
      scf.if %cond3A_113 {
        %dma_wait3A_114 = tpu.memref_slice %arg8[%mul3A_101] : memref<10080xi32, #tpu.memory_space<vmem>> -> memref<80xi32, #tpu.memory_space<vmem>>
        %dma_wait3A_115 = arith.constant 0 : i32
        %dma_wait3A_116 = arith.constant 0 : i32
        %dma_wait3A_117 = tpu.memref_slice %arg2[%dma_wait3A_115, %dma_wait3A_116] : memref<10000x128xf32, #tpu.memory_space<hbm>> -> memref<10000x128xf32, #tpu.memory_space<hbm>>
        tpu.wait_indirect_dma semaphore(%arg15 : memref<!tpu.dma_semaphore, #tpu.memory_space<semaphore_mem>>) src(%dma_wait3A_117 : memref<10000x128xf32, #tpu.memory_space<hbm>>) dst(%arg12 : memref<80x128xf32, #tpu.memory_space<vmem>>)
        "tpu.region"() ({
          %run_scoped3A = tpu.sem_alloc : memref<!tpu.dma_semaphore, #tpu.memory_space<semaphore_mem>>
          %dma_start3A_118 = tpu.memref_slice %arg9[%mul3A_101] : memref<10080xi32, #tpu.memory_space<vmem>> -> memref<80xi32, #tpu.memory_space<vmem>>
          %dma_start3A_119 = arith.constant 0 : i32
          %dma_start3A_120 = arith.constant 0 : i32
          %dma_start3A_121 = tpu.memref_slice %arg13[%dma_start3A_119, %dma_start3A_120] : memref<5120x128xf32, #tpu.memory_space<vmem_shared>> -> memref<5120x128xf32, #tpu.memory_space<vmem_shared>>
          tpu.enqueue_indirect_dma source(%arg12 : memref<80x128xf32, #tpu.memory_space<vmem>>) target(%dma_start3A_121 : memref<5120x128xf32, #tpu.memory_space<vmem_shared>>) offsets(%dma_start3A_118 : memref<80xi32, #tpu.memory_space<vmem>>) semaphore(%run_scoped3A : memref<!tpu.dma_semaphore, #tpu.memory_space<semaphore_mem>>) {add = true}
          %dma_wait3A_122 = tpu.memref_slice %arg9[%mul3A_101] : memref<10080xi32, #tpu.memory_space<vmem>> -> memref<80xi32, #tpu.memory_space<vmem>>
          %dma_wait3A_123 = arith.constant 0 : i32
          %dma_wait3A_124 = arith.constant 0 : i32
          %dma_wait3A_125 = tpu.memref_slice %arg13[%dma_wait3A_123, %dma_wait3A_124] : memref<5120x128xf32, #tpu.memory_space<vmem_shared>> -> memref<5120x128xf32, #tpu.memory_space<vmem_shared>>
          tpu.wait_indirect_dma semaphore(%run_scoped3A : memref<!tpu.dma_semaphore, #tpu.memory_space<semaphore_mem>>) src(%arg12 : memref<80x128xf32, #tpu.memory_space<vmem>>) dst(%dma_wait3A_125 : memref<5120x128xf32, #tpu.memory_space<vmem_shared>>)
          tpu.yield
        }) : () -> ()
      } else {
      }
    } else {
    }
    %mul3A_12 = arith.constant 2 : i32
    %mul3A_13 = arith.muli %arg1, %mul3A_12 : i32
    %add3A_14 = arith.constant 1 : i32
    %add3A_15 = arith.addi %mul3A_13, %add3A_14 : i32
    "tpu.region"() ({
      %run_scoped3A = tpu.sem_alloc : memref<!tpu.dma_semaphore, #tpu.memory_space<semaphore_mem>>
      %dma_start3A = arith.constant 0 : i32
      %dma_start3A_35 = tpu.memref_slice %arg3[%add3A_15, %arg0, %dma_start3A] : memref<32x2x10080xi32, #tpu.memory_space<hbm>> -> memref<1x1x10080xi32, #tpu.memory_space<hbm>>
      %dma_start3A_36 = tpu.memref_squeeze %dma_start3A_35 : memref<1x1x10080xi32, #tpu.memory_space<hbm>> -> memref<10080xi32, #tpu.memory_space<hbm>>
      %dma_start3A_37 = arith.constant 0 : i32
      %dma_start3A_38 = tpu.memref_slice %arg3[%add3A_15, %arg0, %dma_start3A_37] : memref<32x2x10080xi32, #tpu.memory_space<hbm>> -> memref<1x1x10080xi32, #tpu.memory_space<hbm>>
      %dma_start3A_39 = tpu.memref_squeeze %dma_start3A_38 : memref<1x1x10080xi32, #tpu.memory_space<hbm>> -> memref<10080xi32, #tpu.memory_space<hbm>>
      tpu.enqueue_dma source(%dma_start3A_39 : memref<10080xi32, #tpu.memory_space<hbm>>) target(%arg8 : memref<10080xi32, #tpu.memory_space<vmem>>) target_semaphore(%run_scoped3A : memref<!tpu.dma_semaphore, #tpu.memory_space<semaphore_mem>>)
      %dma_wait3A = arith.constant 0 : i32
      %dma_wait3A_40 = tpu.memref_slice %arg3[%add3A_15, %arg0, %dma_wait3A] : memref<32x2x10080xi32, #tpu.memory_space<hbm>> -> memref<1x1x10080xi32, #tpu.memory_space<hbm>>
      %dma_wait3A_41 = tpu.memref_squeeze %dma_wait3A_40 : memref<1x1x10080xi32, #tpu.memory_space<hbm>> -> memref<10080xi32, #tpu.memory_space<hbm>>
      %dma_wait3A_42 = arith.constant 0 : i32
      %dma_wait3A_43 = tpu.memref_slice %arg3[%add3A_15, %arg0, %dma_wait3A_42] : memref<32x2x10080xi32, #tpu.memory_space<hbm>> -> memref<1x1x10080xi32, #tpu.memory_space<hbm>>
      %dma_wait3A_44 = tpu.memref_squeeze %dma_wait3A_43 : memref<1x1x10080xi32, #tpu.memory_space<hbm>> -> memref<10080xi32, #tpu.memory_space<hbm>>
      tpu.wait_dma2 semaphore(%run_scoped3A : memref<!tpu.dma_semaphore, #tpu.memory_space<semaphore_mem>>) src(%dma_wait3A_44 : memref<10080xi32, #tpu.memory_space<hbm>>) dst(%arg8 : memref<10080xi32, #tpu.memory_space<vmem>>)
      tpu.yield
    }) : () -> ()
    "tpu.region"() ({
      %run_scoped3A = tpu.sem_alloc : memref<!tpu.dma_semaphore, #tpu.memory_space<semaphore_mem>>
      %dma_start3A = arith.constant 0 : i32
      %dma_start3A_35 = tpu.memref_slice %arg4[%add3A_15, %arg0, %dma_start3A] : memref<32x2x10080xi32, #tpu.memory_space<hbm>> -> memref<1x1x10080xi32, #tpu.memory_space<hbm>>
      %dma_start3A_36 = tpu.memref_squeeze %dma_start3A_35 : memref<1x1x10080xi32, #tpu.memory_space<hbm>> -> memref<10080xi32, #tpu.memory_space<hbm>>
      %dma_start3A_37 = arith.constant 0 : i32
      %dma_start3A_38 = tpu.memref_slice %arg4[%add3A_15, %arg0, %dma_start3A_37] : memref<32x2x10080xi32, #tpu.memory_space<hbm>> -> memref<1x1x10080xi32, #tpu.memory_space<hbm>>
      %dma_start3A_39 = tpu.memref_squeeze %dma_start3A_38 : memref<1x1x10080xi32, #tpu.memory_space<hbm>> -> memref<10080xi32, #tpu.memory_space<hbm>>
      tpu.enqueue_dma source(%dma_start3A_39 : memref<10080xi32, #tpu.memory_space<hbm>>) target(%arg9 : memref<10080xi32, #tpu.memory_space<vmem>>) target_semaphore(%run_scoped3A : memref<!tpu.dma_semaphore, #tpu.memory_space<semaphore_mem>>)
      %dma_wait3A = arith.constant 0 : i32
      %dma_wait3A_40 = tpu.memref_slice %arg4[%add3A_15, %arg0, %dma_wait3A] : memref<32x2x10080xi32, #tpu.memory_space<hbm>> -> memref<1x1x10080xi32, #tpu.memory_space<hbm>>
      %dma_wait3A_41 = tpu.memref_squeeze %dma_wait3A_40 : memref<1x1x10080xi32, #tpu.memory_space<hbm>> -> memref<10080xi32, #tpu.memory_space<hbm>>
      %dma_wait3A_42 = arith.constant 0 : i32
      %dma_wait3A_43 = tpu.memref_slice %arg4[%add3A_15, %arg0, %dma_wait3A_42] : memref<32x2x10080xi32, #tpu.memory_space<hbm>> -> memref<1x1x10080xi32, #tpu.memory_space<hbm>>
      %dma_wait3A_44 = tpu.memref_squeeze %dma_wait3A_43 : memref<1x1x10080xi32, #tpu.memory_space<hbm>> -> memref<10080xi32, #tpu.memory_space<hbm>>
      tpu.wait_dma2 semaphore(%run_scoped3A : memref<!tpu.dma_semaphore, #tpu.memory_space<semaphore_mem>>) src(%dma_wait3A_44 : memref<10080xi32, #tpu.memory_space<hbm>>) dst(%arg9 : memref<10080xi32, #tpu.memory_space<vmem>>)
      tpu.yield
    }) : () -> ()
    "tpu.region"() ({
      %run_scoped3A = tpu.sem_alloc : memref<!tpu.dma_semaphore, #tpu.memory_space<semaphore_mem>>
      %dma_start3A = arith.constant 0 : i32
      %dma_start3A_35 = tpu.memref_slice %arg5[%arg0, %add3A_15, %dma_start3A] : memref<2x32x16xi32, #tpu.memory_space<hbm>> -> memref<1x1x16xi32, #tpu.memory_space<hbm>>
      %dma_start3A_36 = tpu.memref_squeeze %dma_start3A_35 : memref<1x1x16xi32, #tpu.memory_space<hbm>> -> memref<16xi32, #tpu.memory_space<hbm>>
      %dma_start3A_37 = arith.constant 0 : i32
      %dma_start3A_38 = tpu.memref_slice %arg5[%arg0, %add3A_15, %dma_start3A_37] : memref<2x32x16xi32, #tpu.memory_space<hbm>> -> memref<1x1x16xi32, #tpu.memory_space<hbm>>
      %dma_start3A_39 = tpu.memref_squeeze %dma_start3A_38 : memref<1x1x16xi32, #tpu.memory_space<hbm>> -> memref<16xi32, #tpu.memory_space<hbm>>
      tpu.enqueue_dma source(%dma_start3A_39 : memref<16xi32, #tpu.memory_space<hbm>>) target(%arg10 : memref<16xi32, #tpu.memory_space<vmem>>) target_semaphore(%run_scoped3A : memref<!tpu.dma_semaphore, #tpu.memory_space<semaphore_mem>>)
      %dma_wait3A = arith.constant 0 : i32
      %dma_wait3A_40 = tpu.memref_slice %arg5[%arg0, %add3A_15, %dma_wait3A] : memref<2x32x16xi32, #tpu.memory_space<hbm>> -> memref<1x1x16xi32, #tpu.memory_space<hbm>>
      %dma_wait3A_41 = tpu.memref_squeeze %dma_wait3A_40 : memref<1x1x16xi32, #tpu.memory_space<hbm>> -> memref<16xi32, #tpu.memory_space<hbm>>
      %dma_wait3A_42 = arith.constant 0 : i32
      %dma_wait3A_43 = tpu.memref_slice %arg5[%arg0, %add3A_15, %dma_wait3A_42] : memref<2x32x16xi32, #tpu.memory_space<hbm>> -> memref<1x1x16xi32, #tpu.memory_space<hbm>>
      %dma_wait3A_44 = tpu.memref_squeeze %dma_wait3A_43 : memref<1x1x16xi32, #tpu.memory_space<hbm>> -> memref<16xi32, #tpu.memory_space<hbm>>
      tpu.wait_dma2 semaphore(%run_scoped3A : memref<!tpu.dma_semaphore, #tpu.memory_space<semaphore_mem>>) src(%dma_wait3A_44 : memref<16xi32, #tpu.memory_space<hbm>>) dst(%arg10 : memref<16xi32, #tpu.memory_space<vmem>>)
      tpu.yield
    }) : () -> ()
    %get3A_16 = arith.constant 0 : index
    %get3A_17 = tpu.vector_load %arg10[%get3A_16] {strides = array<i32>} : memref<16xi32, #tpu.memory_space<vmem>>, vector<16xi32>,
    %get3A_18 = vector.shape_cast %get3A_17 : vector<16xi32> to vector<16xi32>
    %slice3A_19 = vector.extract_strided_slice %get3A_18 {offsets = [0], sizes = [1], strides = [1]} : vector<16xi32> to vector<1xi32>
    %squeeze3A_20 = vector.extract %slice3A_19[0] : i32 from vector<1xi32>
    %gt3A_21 = arith.constant 0 : i32
    %gt3A_22 = arith.cmpi sgt, %squeeze3A_20, %gt3A_21 : i32
    %convert_element_type3A_23 = arith.extui %gt3A_22 : i1 to i32
    %cond3A_24 = arith.constant 0 : i32
    %cond3A_25 = arith.cmpi ne, %convert_element_type3A_23, %cond3A_24 : i32
    scf.if %cond3A_25 {
      %dma_start3A = arith.constant 0 : i32
      %dma_start3A_35 = tpu.memref_slice %arg8[%dma_start3A] : memref<10080xi32, #tpu.memory_space<vmem>> -> memref<80xi32, #tpu.memory_space<vmem>>
      %dma_start3A_36 = arith.constant 0 : i32
      %dma_start3A_37 = arith.constant 0 : i32
      %dma_start3A_38 = tpu.memref_slice %arg2[%dma_start3A_36, %dma_start3A_37] : memref<10000x128xf32, #tpu.memory_space<hbm>> -> memref<10000x128xf32, #tpu.memory_space<hbm>>
      tpu.enqueue_indirect_dma source(%dma_start3A_38 : memref<10000x128xf32, #tpu.memory_space<hbm>>) target(%arg11 : memref<80x128xf32, #tpu.memory_space<vmem>>) offsets(%dma_start3A_35 : memref<80xi32, #tpu.memory_space<vmem>>) semaphore(%arg14 : memref<!tpu.dma_semaphore, #tpu.memory_space<semaphore_mem>>)
      %sub3A = arith.constant 1 : i32
      %sub3A_39 = arith.subi %squeeze3A_20, %sub3A : i32
      %jit3A = arith.constant 2 : i32
      %div3A = arith.divsi %sub3A_39, %jit3A : i32
      %sign3A = arith.constant 0 : i32
      %sign3A_40 = arith.cmpi sgt, %sub3A_39, %sign3A : i32
      %sign3A_41 = arith.extui %sign3A_40 : i1 to i32
      %sign3A_42 = arith.constant 0 : i32
      %sign3A_43 = arith.cmpi slt, %sub3A_39, %sign3A_42 : i32
      %sign3A_44 = arith.extui %sign3A_43 : i1 to i32
      %sign3A_45 = arith.subi %sign3A_41, %sign3A_44 : i32
      %sign3A_46 = arith.constant 0 : i32
      %sign3A_47 = arith.cmpi sgt, %jit3A, %sign3A_46 : i32
      %sign3A_48 = arith.extui %sign3A_47 : i1 to i32
      %sign3A_49 = arith.constant 0 : i32
      %sign3A_50 = arith.cmpi slt, %jit3A, %sign3A_49 : i32
      %sign3A_51 = arith.extui %sign3A_50 : i1 to i32
      %sign3A_52 = arith.subi %sign3A_48, %sign3A_51 : i32
      %ne3A = arith.cmpi ne, %sign3A_45, %sign3A_52 : i32
      %rem3A = arith.remsi %sub3A_39, %jit3A : i32
      %ne3A_53 = arith.constant 0 : i32
      %ne3A_54 = arith.cmpi ne, %rem3A, %ne3A_53 : i32
      %and3A = arith.andi %ne3A, %ne3A_54 : i1
      %sub3A_55 = arith.constant 1 : i32
      %sub3A_56 = arith.subi %div3A, %sub3A_55 : i32
      %select_n3A = arith.select %and3A, %sub3A_56, %div3A : i32
      %while3A = arith.constant 0 : i32
      %while3A_57 = arith.constant 0 : i32
      %while3A_58 = arith.subi %select_n3A, %while3A_57 : i32
      %while3A_59 = arith.addi %while3A_57, %while3A_58 : i32
      %while3A_60 = arith.constant 1 : i32
      %while3A_61 = arith.divsi %while3A_58, %while3A_60 : i32
      %while3A_62 = arith.muli %while3A_61, %while3A_60 : i32
      %while3A_63 = arith.addi %while3A_57, %while3A_62 : i32
      %while3A_64 = arith.constant 1 : i32
      scf.for %while3A_114 = %while3A_57 to %while3A_63 step %while3A_64  : i32 {
        %mul3A_115 = arith.constant 2 : i32
        %mul3A_116 = arith.muli %while3A_114, %mul3A_115 : i32
        %add3A_117 = arith.constant 1 : i32
        %add3A_118 = arith.addi %mul3A_116, %add3A_117 : i32
        %mul3A_119 = arith.constant 80 : i32
        %mul3A_120 = arith.muli %mul3A_116, %mul3A_119 : i32
        %mul3A_121 = arith.constant 80 : i32
        %mul3A_122 = arith.muli %add3A_118, %mul3A_121 : i32
        %dma_start3A_123 = tpu.memref_slice %arg8[%mul3A_122] : memref<10080xi32, #tpu.memory_space<vmem>> -> memref<80xi32, #tpu.memory_space<vmem>>
        %dma_start3A_124 = arith.constant 0 : i32
        %dma_start3A_125 = arith.constant 0 : i32
        %dma_start3A_126 = tpu.memref_slice %arg2[%dma_start3A_124, %dma_start3A_125] : memref<10000x128xf32, #tpu.memory_space<hbm>> -> memref<10000x128xf32, #tpu.memory_space<hbm>>
        tpu.enqueue_indirect_dma source(%dma_start3A_126 : memref<10000x128xf32, #tpu.memory_space<hbm>>) target(%arg12 : memref<80x128xf32, #tpu.memory_space<vmem>>) offsets(%dma_start3A_123 : memref<80xi32, #tpu.memory_space<vmem>>) semaphore(%arg15 : memref<!tpu.dma_semaphore, #tpu.memory_space<semaphore_mem>>)
        %dma_wait3A_127 = tpu.memref_slice %arg8[%mul3A_120] : memref<10080xi32, #tpu.memory_space<vmem>> -> memref<80xi32, #tpu.memory_space<vmem>>
        %dma_wait3A_128 = arith.constant 0 : i32
        %dma_wait3A_129 = arith.constant 0 : i32
        %dma_wait3A_130 = tpu.memref_slice %arg2[%dma_wait3A_128, %dma_wait3A_129] : memref<10000x128xf32, #tpu.memory_space<hbm>> -> memref<10000x128xf32, #tpu.memory_space<hbm>>
        tpu.wait_indirect_dma semaphore(%arg14 : memref<!tpu.dma_semaphore, #tpu.memory_space<semaphore_mem>>) src(%dma_wait3A_130 : memref<10000x128xf32, #tpu.memory_space<hbm>>) dst(%arg11 : memref<80x128xf32, #tpu.memory_space<vmem>>)
        "tpu.region"() ({
          %run_scoped3A = tpu.sem_alloc : memref<!tpu.dma_semaphore, #tpu.memory_space<semaphore_mem>>
          %dma_start3A_143 = tpu.memref_slice %arg9[%mul3A_120] : memref<10080xi32, #tpu.memory_space<vmem>> -> memref<80xi32, #tpu.memory_space<vmem>>
          %dma_start3A_144 = arith.constant 0 : i32
          %dma_start3A_145 = arith.constant 0 : i32
          %dma_start3A_146 = tpu.memref_slice %arg13[%dma_start3A_144, %dma_start3A_145] : memref<5120x128xf32, #tpu.memory_space<vmem_shared>> -> memref<5120x128xf32, #tpu.memory_space<vmem_shared>>
          tpu.enqueue_indirect_dma source(%arg11 : memref<80x128xf32, #tpu.memory_space<vmem>>) target(%dma_start3A_146 : memref<5120x128xf32, #tpu.memory_space<vmem_shared>>) offsets(%dma_start3A_143 : memref<80xi32, #tpu.memory_space<vmem>>) semaphore(%run_scoped3A : memref<!tpu.dma_semaphore, #tpu.memory_space<semaphore_mem>>) {add = true}
          %dma_wait3A_147 = tpu.memref_slice %arg9[%mul3A_120] : memref<10080xi32, #tpu.memory_space<vmem>> -> memref<80xi32, #tpu.memory_space<vmem>>
          %dma_wait3A_148 = arith.constant 0 : i32
          %dma_wait3A_149 = arith.constant 0 : i32
          %dma_wait3A_150 = tpu.memref_slice %arg13[%dma_wait3A_148, %dma_wait3A_149] : memref<5120x128xf32, #tpu.memory_space<vmem_shared>> -> memref<5120x128xf32, #tpu.memory_space<vmem_shared>>
          tpu.wait_indirect_dma semaphore(%run_scoped3A : memref<!tpu.dma_semaphore, #tpu.memory_space<semaphore_mem>>) src(%arg11 : memref<80x128xf32, #tpu.memory_space<vmem>>) dst(%dma_wait3A_150 : memref<5120x128xf32, #tpu.memory_space<vmem_shared>>)
          tpu.yield
        }) : () -> ()
        %add3A_131 = arith.constant 2 : i32
        %add3A_132 = arith.addi %mul3A_116, %add3A_131 : i32
        %mul3A_133 = arith.constant 80 : i32
        %mul3A_134 = arith.muli %add3A_132, %mul3A_133 : i32
        %dma_start3A_135 = tpu.memref_slice %arg8[%mul3A_134] : memref<10080xi32, #tpu.memory_space<vmem>> -> memref<80xi32, #tpu.memory_space<vmem>>
        %dma_start3A_136 = arith.constant 0 : i32
        %dma_start3A_137 = arith.constant 0 : i32
        %dma_start3A_138 = tpu.memref_slice %arg2[%dma_start3A_136, %dma_start3A_137] : memref<10000x128xf32, #tpu.memory_space<hbm>> -> memref<10000x128xf32, #tpu.memory_space<hbm>>
        tpu.enqueue_indirect_dma source(%dma_start3A_138 : memref<10000x128xf32, #tpu.memory_space<hbm>>) target(%arg11 : memref<80x128xf32, #tpu.memory_space<vmem>>) offsets(%dma_start3A_135 : memref<80xi32, #tpu.memory_space<vmem>>) semaphore(%arg14 : memref<!tpu.dma_semaphore, #tpu.memory_space<semaphore_mem>>)
        %dma_wait3A_139 = tpu.memref_slice %arg8[%mul3A_122] : memref<10080xi32, #tpu.memory_space<vmem>> -> memref<80xi32, #tpu.memory_space<vmem>>
        %dma_wait3A_140 = arith.constant 0 : i32
        %dma_wait3A_141 = arith.constant 0 : i32
        %dma_wait3A_142 = tpu.memref_slice %arg2[%dma_wait3A_140, %dma_wait3A_141] : memref<10000x128xf32, #tpu.memory_space<hbm>> -> memref<10000x128xf32, #tpu.memory_space<hbm>>
        tpu.wait_indirect_dma semaphore(%arg15 : memref<!tpu.dma_semaphore, #tpu.memory_space<semaphore_mem>>) src(%dma_wait3A_142 : memref<10000x128xf32, #tpu.memory_space<hbm>>) dst(%arg12 : memref<80x128xf32, #tpu.memory_space<vmem>>)
        "tpu.region"() ({
          %run_scoped3A = tpu.sem_alloc : memref<!tpu.dma_semaphore, #tpu.memory_space<semaphore_mem>>
          %dma_start3A_143 = tpu.memref_slice %arg9[%mul3A_122] : memref<10080xi32, #tpu.memory_space<vmem>> -> memref<80xi32, #tpu.memory_space<vmem>>
          %dma_start3A_144 = arith.constant 0 : i32
          %dma_start3A_145 = arith.constant 0 : i32
          %dma_start3A_146 = tpu.memref_slice %arg13[%dma_start3A_144, %dma_start3A_145] : memref<5120x128xf32, #tpu.memory_space<vmem_shared>> -> memref<5120x128xf32, #tpu.memory_space<vmem_shared>>
          tpu.enqueue_indirect_dma source(%arg12 : memref<80x128xf32, #tpu.memory_space<vmem>>) target(%dma_start3A_146 : memref<5120x128xf32, #tpu.memory_space<vmem_shared>>) offsets(%dma_start3A_143 : memref<80xi32, #tpu.memory_space<vmem>>) semaphore(%run_scoped3A : memref<!tpu.dma_semaphore, #tpu.memory_space<semaphore_mem>>) {add = true}
          %dma_wait3A_147 = tpu.memref_slice %arg9[%mul3A_122] : memref<10080xi32, #tpu.memory_space<vmem>> -> memref<80xi32, #tpu.memory_space<vmem>>
          %dma_wait3A_148 = arith.constant 0 : i32
          %dma_wait3A_149 = arith.constant 0 : i32
          %dma_wait3A_150 = tpu.memref_slice %arg13[%dma_wait3A_148, %dma_wait3A_149] : memref<5120x128xf32, #tpu.memory_space<vmem_shared>> -> memref<5120x128xf32, #tpu.memory_space<vmem_shared>>
          tpu.wait_indirect_dma semaphore(%run_scoped3A : memref<!tpu.dma_semaphore, #tpu.memory_space<semaphore_mem>>) src(%arg12 : memref<80x128xf32, #tpu.memory_space<vmem>>) dst(%dma_wait3A_150 : memref<5120x128xf32, #tpu.memory_space<vmem_shared>>)
          tpu.yield
        }) : () -> ()
      }
      %while3A_65 = arith.constant 1 : i32
      scf.for %while3A_114 = %while3A_63 to %while3A_59 step %while3A_65  : i32 {
        %mul3A_115 = arith.constant 2 : i32
        %mul3A_116 = arith.muli %while3A_114, %mul3A_115 : i32
        %add3A_117 = arith.constant 1 : i32
        %add3A_118 = arith.addi %mul3A_116, %add3A_117 : i32
        %mul3A_119 = arith.constant 80 : i32
        %mul3A_120 = arith.muli %mul3A_116, %mul3A_119 : i32
        %mul3A_121 = arith.constant 80 : i32
        %mul3A_122 = arith.muli %add3A_118, %mul3A_121 : i32
        %dma_start3A_123 = tpu.memref_slice %arg8[%mul3A_122] : memref<10080xi32, #tpu.memory_space<vmem>> -> memref<80xi32, #tpu.memory_space<vmem>>
        %dma_start3A_124 = arith.constant 0 : i32
        %dma_start3A_125 = arith.constant 0 : i32
        %dma_start3A_126 = tpu.memref_slice %arg2[%dma_start3A_124, %dma_start3A_125] : memref<10000x128xf32, #tpu.memory_space<hbm>> -> memref<10000x128xf32, #tpu.memory_space<hbm>>
        tpu.enqueue_indirect_dma source(%dma_start3A_126 : memref<10000x128xf32, #tpu.memory_space<hbm>>) target(%arg12 : memref<80x128xf32, #tpu.memory_space<vmem>>) offsets(%dma_start3A_123 : memref<80xi32, #tpu.memory_space<vmem>>) semaphore(%arg15 : memref<!tpu.dma_semaphore, #tpu.memory_space<semaphore_mem>>)
        %dma_wait3A_127 = tpu.memref_slice %arg8[%mul3A_120] : memref<10080xi32, #tpu.memory_space<vmem>> -> memref<80xi32, #tpu.memory_space<vmem>>
        %dma_wait3A_128 = arith.constant 0 : i32
        %dma_wait3A_129 = arith.constant 0 : i32
        %dma_wait3A_130 = tpu.memref_slice %arg2[%dma_wait3A_128, %dma_wait3A_129] : memref<10000x128xf32, #tpu.memory_space<hbm>> -> memref<10000x128xf32, #tpu.memory_space<hbm>>
        tpu.wait_indirect_dma semaphore(%arg14 : memref<!tpu.dma_semaphore, #tpu.memory_space<semaphore_mem>>) src(%dma_wait3A_130 : memref<10000x128xf32, #tpu.memory_space<hbm>>) dst(%arg11 : memref<80x128xf32, #tpu.memory_space<vmem>>)
        "tpu.region"() ({
          %run_scoped3A = tpu.sem_alloc : memref<!tpu.dma_semaphore, #tpu.memory_space<semaphore_mem>>
          %dma_start3A_143 = tpu.memref_slice %arg9[%mul3A_120] : memref<10080xi32, #tpu.memory_space<vmem>> -> memref<80xi32, #tpu.memory_space<vmem>>
          %dma_start3A_144 = arith.constant 0 : i32
          %dma_start3A_145 = arith.constant 0 : i32
          %dma_start3A_146 = tpu.memref_slice %arg13[%dma_start3A_144, %dma_start3A_145] : memref<5120x128xf32, #tpu.memory_space<vmem_shared>> -> memref<5120x128xf32, #tpu.memory_space<vmem_shared>>
          tpu.enqueue_indirect_dma source(%arg11 : memref<80x128xf32, #tpu.memory_space<vmem>>) target(%dma_start3A_146 : memref<5120x128xf32, #tpu.memory_space<vmem_shared>>) offsets(%dma_start3A_143 : memref<80xi32, #tpu.memory_space<vmem>>) semaphore(%run_scoped3A : memref<!tpu.dma_semaphore, #tpu.memory_space<semaphore_mem>>) {add = true}
          %dma_wait3A_147 = tpu.memref_slice %arg9[%mul3A_120] : memref<10080xi32, #tpu.memory_space<vmem>> -> memref<80xi32, #tpu.memory_space<vmem>>
          %dma_wait3A_148 = arith.constant 0 : i32
          %dma_wait3A_149 = arith.constant 0 : i32
          %dma_wait3A_150 = tpu.memref_slice %arg13[%dma_wait3A_148, %dma_wait3A_149] : memref<5120x128xf32, #tpu.memory_space<vmem_shared>> -> memref<5120x128xf32, #tpu.memory_space<vmem_shared>>
          tpu.wait_indirect_dma semaphore(%run_scoped3A : memref<!tpu.dma_semaphore, #tpu.memory_space<semaphore_mem>>) src(%arg11 : memref<80x128xf32, #tpu.memory_space<vmem>>) dst(%dma_wait3A_150 : memref<5120x128xf32, #tpu.memory_space<vmem_shared>>)
          tpu.yield
        }) : () -> ()
        %add3A_131 = arith.constant 2 : i32
        %add3A_132 = arith.addi %mul3A_116, %add3A_131 : i32
        %mul3A_133 = arith.constant 80 : i32
        %mul3A_134 = arith.muli %add3A_132, %mul3A_133 : i32
        %dma_start3A_135 = tpu.memref_slice %arg8[%mul3A_134] : memref<10080xi32, #tpu.memory_space<vmem>> -> memref<80xi32, #tpu.memory_space<vmem>>
        %dma_start3A_136 = arith.constant 0 : i32
        %dma_start3A_137 = arith.constant 0 : i32
        %dma_start3A_138 = tpu.memref_slice %arg2[%dma_start3A_136, %dma_start3A_137] : memref<10000x128xf32, #tpu.memory_space<hbm>> -> memref<10000x128xf32, #tpu.memory_space<hbm>>
        tpu.enqueue_indirect_dma source(%dma_start3A_138 : memref<10000x128xf32, #tpu.memory_space<hbm>>) target(%arg11 : memref<80x128xf32, #tpu.memory_space<vmem>>) offsets(%dma_start3A_135 : memref<80xi32, #tpu.memory_space<vmem>>) semaphore(%arg14 : memref<!tpu.dma_semaphore, #tpu.memory_space<semaphore_mem>>)
        %dma_wait3A_139 = tpu.memref_slice %arg8[%mul3A_122] : memref<10080xi32, #tpu.memory_space<vmem>> -> memref<80xi32, #tpu.memory_space<vmem>>
        %dma_wait3A_140 = arith.constant 0 : i32
        %dma_wait3A_141 = arith.constant 0 : i32
        %dma_wait3A_142 = tpu.memref_slice %arg2[%dma_wait3A_140, %dma_wait3A_141] : memref<10000x128xf32, #tpu.memory_space<hbm>> -> memref<10000x128xf32, #tpu.memory_space<hbm>>
        tpu.wait_indirect_dma semaphore(%arg15 : memref<!tpu.dma_semaphore, #tpu.memory_space<semaphore_mem>>) src(%dma_wait3A_142 : memref<10000x128xf32, #tpu.memory_space<hbm>>) dst(%arg12 : memref<80x128xf32, #tpu.memory_space<vmem>>)
        "tpu.region"() ({
          %run_scoped3A = tpu.sem_alloc : memref<!tpu.dma_semaphore, #tpu.memory_space<semaphore_mem>>
          %dma_start3A_143 = tpu.memref_slice %arg9[%mul3A_122] : memref<10080xi32, #tpu.memory_space<vmem>> -> memref<80xi32, #tpu.memory_space<vmem>>
          %dma_start3A_144 = arith.constant 0 : i32
          %dma_start3A_145 = arith.constant 0 : i32
          %dma_start3A_146 = tpu.memref_slice %arg13[%dma_start3A_144, %dma_start3A_145] : memref<5120x128xf32, #tpu.memory_space<vmem_shared>> -> memref<5120x128xf32, #tpu.memory_space<vmem_shared>>
          tpu.enqueue_indirect_dma source(%arg12 : memref<80x128xf32, #tpu.memory_space<vmem>>) target(%dma_start3A_146 : memref<5120x128xf32, #tpu.memory_space<vmem_shared>>) offsets(%dma_start3A_143 : memref<80xi32, #tpu.memory_space<vmem>>) semaphore(%run_scoped3A : memref<!tpu.dma_semaphore, #tpu.memory_space<semaphore_mem>>) {add = true}
          %dma_wait3A_147 = tpu.memref_slice %arg9[%mul3A_122] : memref<10080xi32, #tpu.memory_space<vmem>> -> memref<80xi32, #tpu.memory_space<vmem>>
          %dma_wait3A_148 = arith.constant 0 : i32
          %dma_wait3A_149 = arith.constant 0 : i32
          %dma_wait3A_150 = tpu.memref_slice %arg13[%dma_wait3A_148, %dma_wait3A_149] : memref<5120x128xf32, #tpu.memory_space<vmem_shared>> -> memref<5120x128xf32, #tpu.memory_space<vmem_shared>>
          tpu.wait_indirect_dma semaphore(%run_scoped3A : memref<!tpu.dma_semaphore, #tpu.memory_space<semaphore_mem>>) src(%arg12 : memref<80x128xf32, #tpu.memory_space<vmem>>) dst(%dma_wait3A_150 : memref<5120x128xf32, #tpu.memory_space<vmem_shared>>)
          tpu.yield
        }) : () -> ()
      }
      %sub3A_66 = arith.constant 1 : i32
      %sub3A_67 = arith.subi %squeeze3A_20, %sub3A_66 : i32
      %jit3A_68 = arith.constant 2 : i32
      %div3A_69 = arith.divsi %sub3A_67, %jit3A_68 : i32
      %sign3A_70 = arith.constant 0 : i32
      %sign3A_71 = arith.cmpi sgt, %sub3A_67, %sign3A_70 : i32
      %sign3A_72 = arith.extui %sign3A_71 : i1 to i32
      %sign3A_73 = arith.constant 0 : i32
      %sign3A_74 = arith.cmpi slt, %sub3A_67, %sign3A_73 : i32
      %sign3A_75 = arith.extui %sign3A_74 : i1 to i32
      %sign3A_76 = arith.subi %sign3A_72, %sign3A_75 : i32
      %sign3A_77 = arith.constant 0 : i32
      %sign3A_78 = arith.cmpi sgt, %jit3A_68, %sign3A_77 : i32
      %sign3A_79 = arith.extui %sign3A_78 : i1 to i32
      %sign3A_80 = arith.constant 0 : i32
      %sign3A_81 = arith.cmpi slt, %jit3A_68, %sign3A_80 : i32
      %sign3A_82 = arith.extui %sign3A_81 : i1 to i32
      %sign3A_83 = arith.subi %sign3A_79, %sign3A_82 : i32
      %ne3A_84 = arith.cmpi ne, %sign3A_76, %sign3A_83 : i32
      %rem3A_85 = arith.remsi %sub3A_67, %jit3A_68 : i32
      %ne3A_86 = arith.constant 0 : i32
      %ne3A_87 = arith.cmpi ne, %rem3A_85, %ne3A_86 : i32
      %and3A_88 = arith.andi %ne3A_84, %ne3A_87 : i1
      %sub3A_89 = arith.constant 1 : i32
      %sub3A_90 = arith.subi %div3A_69, %sub3A_89 : i32
      %select_n3A_91 = arith.select %and3A_88, %sub3A_90, %div3A_69 : i32
      %mul3A_92 = arith.constant 2 : i32
      %mul3A_93 = arith.muli %mul3A_92, %select_n3A_91 : i32
      %sub3A_94 = arith.subi %squeeze3A_20, %mul3A_93 : i32
      %sub3A_95 = arith.subi %squeeze3A_20, %sub3A_94 : i32
      %mul3A_96 = arith.constant 80 : i32
      %mul3A_97 = arith.muli %sub3A_95, %mul3A_96 : i32
      %sub3A_98 = arith.constant 1 : i32
      %sub3A_99 = arith.subi %squeeze3A_20, %sub3A_98 : i32
      %mul3A_100 = arith.constant 80 : i32
      %mul3A_101 = arith.muli %sub3A_99, %mul3A_100 : i32
      %eq3A = arith.constant 2 : i32
      %eq3A_102 = arith.cmpi eq, %sub3A_94, %eq3A : i32
      %convert_element_type3A_103 = arith.extui %eq3A_102 : i1 to i32
      %cond3A_104 = arith.constant 0 : i32
      %cond3A_105 = arith.cmpi ne, %convert_element_type3A_103, %cond3A_104 : i32
      scf.if %cond3A_105 {
        %dma_start3A_114 = tpu.memref_slice %arg8[%mul3A_101] : memref<10080xi32, #tpu.memory_space<vmem>> -> memref<80xi32, #tpu.memory_space<vmem>>
        %dma_start3A_115 = arith.constant 0 : i32
        %dma_start3A_116 = arith.constant 0 : i32
        %dma_start3A_117 = tpu.memref_slice %arg2[%dma_start3A_115, %dma_start3A_116] : memref<10000x128xf32, #tpu.memory_space<hbm>> -> memref<10000x128xf32, #tpu.memory_space<hbm>>
        tpu.enqueue_indirect_dma source(%dma_start3A_117 : memref<10000x128xf32, #tpu.memory_space<hbm>>) target(%arg12 : memref<80x128xf32, #tpu.memory_space<vmem>>) offsets(%dma_start3A_114 : memref<80xi32, #tpu.memory_space<vmem>>) semaphore(%arg15 : memref<!tpu.dma_semaphore, #tpu.memory_space<semaphore_mem>>)
      } else {
      }
      %dma_wait3A = tpu.memref_slice %arg8[%mul3A_97] : memref<10080xi32, #tpu.memory_space<vmem>> -> memref<80xi32, #tpu.memory_space<vmem>>
      %dma_wait3A_106 = arith.constant 0 : i32
      %dma_wait3A_107 = arith.constant 0 : i32
      %dma_wait3A_108 = tpu.memref_slice %arg2[%dma_wait3A_106, %dma_wait3A_107] : memref<10000x128xf32, #tpu.memory_space<hbm>> -> memref<10000x128xf32, #tpu.memory_space<hbm>>
      tpu.wait_indirect_dma semaphore(%arg14 : memref<!tpu.dma_semaphore, #tpu.memory_space<semaphore_mem>>) src(%dma_wait3A_108 : memref<10000x128xf32, #tpu.memory_space<hbm>>) dst(%arg11 : memref<80x128xf32, #tpu.memory_space<vmem>>)
      "tpu.region"() ({
        %run_scoped3A = tpu.sem_alloc : memref<!tpu.dma_semaphore, #tpu.memory_space<semaphore_mem>>
        %dma_start3A_114 = tpu.memref_slice %arg9[%mul3A_97] : memref<10080xi32, #tpu.memory_space<vmem>> -> memref<80xi32, #tpu.memory_space<vmem>>
        %dma_start3A_115 = arith.constant 0 : i32
        %dma_start3A_116 = arith.constant 0 : i32
        %dma_start3A_117 = tpu.memref_slice %arg13[%dma_start3A_115, %dma_start3A_116] : memref<5120x128xf32, #tpu.memory_space<vmem_shared>> -> memref<5120x128xf32, #tpu.memory_space<vmem_shared>>
        tpu.enqueue_indirect_dma source(%arg11 : memref<80x128xf32, #tpu.memory_space<vmem>>) target(%dma_start3A_117 : memref<5120x128xf32, #tpu.memory_space<vmem_shared>>) offsets(%dma_start3A_114 : memref<80xi32, #tpu.memory_space<vmem>>) semaphore(%run_scoped3A : memref<!tpu.dma_semaphore, #tpu.memory_space<semaphore_mem>>) {add = true}
        %dma_wait3A_118 = tpu.memref_slice %arg9[%mul3A_97] : memref<10080xi32, #tpu.memory_space<vmem>> -> memref<80xi32, #tpu.memory_space<vmem>>
        %dma_wait3A_119 = arith.constant 0 : i32
        %dma_wait3A_120 = arith.constant 0 : i32
        %dma_wait3A_121 = tpu.memref_slice %arg13[%dma_wait3A_119, %dma_wait3A_120] : memref<5120x128xf32, #tpu.memory_space<vmem_shared>> -> memref<5120x128xf32, #tpu.memory_space<vmem_shared>>
        tpu.wait_indirect_dma semaphore(%run_scoped3A : memref<!tpu.dma_semaphore, #tpu.memory_space<semaphore_mem>>) src(%arg11 : memref<80x128xf32, #tpu.memory_space<vmem>>) dst(%dma_wait3A_121 : memref<5120x128xf32, #tpu.memory_space<vmem_shared>>)
        tpu.yield
      }) : () -> ()
      %eq3A_109 = arith.constant 2 : i32
      %eq3A_110 = arith.cmpi eq, %sub3A_94, %eq3A_109 : i32
      %convert_element_type3A_111 = arith.extui %eq3A_110 : i1 to i32
      %cond3A_112 = arith.constant 0 : i32
      %cond3A_113 = arith.cmpi ne, %convert_element_type3A_111, %cond3A_112 : i32
      scf.if %cond3A_113 {
        %dma_wait3A_114 = tpu.memref_slice %arg8[%mul3A_101] : memref<10080xi32, #tpu.memory_space<vmem>> -> memref<80xi32, #tpu.memory_space<vmem>>
        %dma_wait3A_115 = arith.constant 0 : i32
        %dma_wait3A_116 = arith.constant 0 : i32
        %dma_wait3A_117 = tpu.memref_slice %arg2[%dma_wait3A_115, %dma_wait3A_116] : memref<10000x128xf32, #tpu.memory_space<hbm>> -> memref<10000x128xf32, #tpu.memory_space<hbm>>
        tpu.wait_indirect_dma semaphore(%arg15 : memref<!tpu.dma_semaphore, #tpu.memory_space<semaphore_mem>>) src(%dma_wait3A_117 : memref<10000x128xf32, #tpu.memory_space<hbm>>) dst(%arg12 : memref<80x128xf32, #tpu.memory_space<vmem>>)
        "tpu.region"() ({
          %run_scoped3A = tpu.sem_alloc : memref<!tpu.dma_semaphore, #tpu.memory_space<semaphore_mem>>
          %dma_start3A_118 = tpu.memref_slice %arg9[%mul3A_101] : memref<10080xi32, #tpu.memory_space<vmem>> -> memref<80xi32, #tpu.memory_space<vmem>>
          %dma_start3A_119 = arith.constant 0 : i32
          %dma_start3A_120 = arith.constant 0 : i32
          %dma_start3A_121 = tpu.memref_slice %arg13[%dma_start3A_119, %dma_start3A_120] : memref<5120x128xf32, #tpu.memory_space<vmem_shared>> -> memref<5120x128xf32, #tpu.memory_space<vmem_shared>>
          tpu.enqueue_indirect_dma source(%arg12 : memref<80x128xf32, #tpu.memory_space<vmem>>) target(%dma_start3A_121 : memref<5120x128xf32, #tpu.memory_space<vmem_shared>>) offsets(%dma_start3A_118 : memref<80xi32, #tpu.memory_space<vmem>>) semaphore(%run_scoped3A : memref<!tpu.dma_semaphore, #tpu.memory_space<semaphore_mem>>) {add = true}
          %dma_wait3A_122 = tpu.memref_slice %arg9[%mul3A_101] : memref<10080xi32, #tpu.memory_space<vmem>> -> memref<80xi32, #tpu.memory_space<vmem>>
          %dma_wait3A_123 = arith.constant 0 : i32
          %dma_wait3A_124 = arith.constant 0 : i32
          %dma_wait3A_125 = tpu.memref_slice %arg13[%dma_wait3A_123, %dma_wait3A_124] : memref<5120x128xf32, #tpu.memory_space<vmem_shared>> -> memref<5120x128xf32, #tpu.memory_space<vmem_shared>>
          tpu.wait_indirect_dma semaphore(%run_scoped3A : memref<!tpu.dma_semaphore, #tpu.memory_space<semaphore_mem>>) src(%arg12 : memref<80x128xf32, #tpu.memory_space<vmem>>) dst(%dma_wait3A_125 : memref<5120x128xf32, #tpu.memory_space<vmem_shared>>)
          tpu.yield
        }) : () -> ()
      } else {
      }
    } else {
    }
    %barrier3A_26 = arith.constant 0 : index
    tpu.barrier barrier_id(%barrier3A_26)
    %mul3A_27 = arith.constant 320 : i32
    %mul3A_28 = arith.muli %arg1, %mul3A_27 : i32
    %add3A_29 = arith.constant 0 : i32
    %add3A_30 = arith.addi %mul3A_28, %add3A_29 : i32
    "tpu.region"() ({
      %run_scoped3A = tpu.sem_alloc : memref<!tpu.dma_semaphore, #tpu.memory_space<semaphore_mem>>
      %dma_start3A = arith.constant 0 : i32
      %dma_start3A_35 = tpu.memref_slice %arg7[%arg0, %add3A_30, %dma_start3A] : memref<2x5120x128xf32, #tpu.memory_space<hbm>> -> memref<1x160x128xf32, #tpu.memory_space<hbm>>
      %dma_start3A_36 = tpu.memref_squeeze %dma_start3A_35 : memref<1x160x128xf32, #tpu.memory_space<hbm>> -> memref<160x128xf32, #tpu.memory_space<hbm>>
      %dma_start3A_37 = arith.constant 0 : i32
      %dma_start3A_38 = tpu.memref_slice %arg13[%add3A_30, %dma_start3A_37] : memref<5120x128xf32, #tpu.memory_space<vmem_shared>> -> memref<160x128xf32, #tpu.memory_space<vmem_shared>>
      tpu.enqueue_dma source(%dma_start3A_38 : memref<160x128xf32, #tpu.memory_space<vmem_shared>>) target(%dma_start3A_36 : memref<160x128xf32, #tpu.memory_space<hbm>>) target_semaphore(%run_scoped3A : memref<!tpu.dma_semaphore, #tpu.memory_space<semaphore_mem>>)
      %dma_wait3A = arith.constant 0 : i32
      %dma_wait3A_39 = tpu.memref_slice %arg7[%arg0, %add3A_30, %dma_wait3A] : memref<2x5120x128xf32, #tpu.memory_space<hbm>> -> memref<1x160x128xf32, #tpu.memory_space<hbm>>
      %dma_wait3A_40 = tpu.memref_squeeze %dma_wait3A_39 : memref<1x160x128xf32, #tpu.memory_space<hbm>> -> memref<160x128xf32, #tpu.memory_space<hbm>>
      %dma_wait3A_41 = arith.constant 0 : i32
      %dma_wait3A_42 = tpu.memref_slice %arg13[%add3A_30, %dma_wait3A_41] : memref<5120x128xf32, #tpu.memory_space<vmem_shared>> -> memref<160x128xf32, #tpu.memory_space<vmem_shared>>
      tpu.wait_dma2 semaphore(%run_scoped3A : memref<!tpu.dma_semaphore, #tpu.memory_space<semaphore_mem>>) src(%dma_wait3A_42 : memref<160x128xf32, #tpu.memory_space<vmem_shared>>) dst(%dma_wait3A_40 : memref<160x128xf32, #tpu.memory_space<hbm>>)
      tpu.yield
    }) : () -> ()
    %mul3A_31 = arith.constant 320 : i32
    %mul3A_32 = arith.muli %arg1, %mul3A_31 : i32
    %add3A_33 = arith.constant 160 : i32
    %add3A_34 = arith.addi %mul3A_32, %add3A_33 : i32
    "tpu.region"() ({
      %run_scoped3A = tpu.sem_alloc : memref<!tpu.dma_semaphore, #tpu.memory_space<semaphore_mem>>
      %dma_start3A = arith.constant 0 : i32
      %dma_start3A_35 = tpu.memref_slice %arg7[%arg0, %add3A_34, %dma_start3A] : memref<2x5120x128xf32, #tpu.memory_space<hbm>> -> memref<1x160x128xf32, #tpu.memory_space<hbm>>
      %dma_start3A_36 = tpu.memref_squeeze %dma_start3A_35 : memref<1x160x128xf32, #tpu.memory_space<hbm>> -> memref<160x128xf32, #tpu.memory_space<hbm>>
      %dma_start3A_37 = arith.constant 0 : i32
      %dma_start3A_38 = tpu.memref_slice %arg13[%add3A_34, %dma_start3A_37] : memref<5120x128xf32, #tpu.memory_space<vmem_shared>> -> memref<160x128xf32, #tpu.memory_space<vmem_shared>>
      tpu.enqueue_dma source(%dma_start3A_38 : memref<160x128xf32, #tpu.memory_space<vmem_shared>>) target(%dma_start3A_36 : memref<160x128xf32, #tpu.memory_space<hbm>>) target_semaphore(%run_scoped3A : memref<!tpu.dma_semaphore, #tpu.memory_space<semaphore_mem>>)
      %dma_wait3A = arith.constant 0 : i32
      %dma_wait3A_39 = tpu.memref_slice %arg7[%arg0, %add3A_34, %dma_wait3A] : memref<2x5120x128xf32, #tpu.memory_space<hbm>> -> memref<1x160x128xf32, #tpu.memory_space<hbm>>
      %dma_wait3A_40 = tpu.memref_squeeze %dma_wait3A_39 : memref<1x160x128xf32, #tpu.memory_space<hbm>> -> memref<160x128xf32, #tpu.memory_space<hbm>>
      %dma_wait3A_41 = arith.constant 0 : i32
      %dma_wait3A_42 = tpu.memref_slice %arg13[%add3A_34, %dma_wait3A_41] : memref<5120x128xf32, #tpu.memory_space<vmem_shared>> -> memref<160x128xf32, #tpu.memory_space<vmem_shared>>
      tpu.wait_dma2 semaphore(%run_scoped3A : memref<!tpu.dma_semaphore, #tpu.memory_space<semaphore_mem>>) src(%dma_wait3A_42 : memref<160x128xf32, #tpu.memory_space<vmem_shared>>) dst(%dma_wait3A_40 : memref<160x128xf32, #tpu.memory_space<hbm>>)
      tpu.yield
    }) : () -> ()
    return
  }
}

#map = affine_map<(d0, d1) -> (0, 0)>
#map1 = affine_map<(d0, d1) -> (0)>
#map2 = affine_map<(d0, d1) -> (0, 0, 0)>
module attributes {stable_mosaic.version = 14 : i64} {
  func.func @_deg_sc(%arg0: i32, %arg1: i32, %arg2: memref<32x10000xi32, #tpu.memory_space<hbm>>, %arg3: memref<32x10000xi32, #tpu.memory_space<hbm>>, %arg4: memref<10240xf32, #tpu.memory_space<hbm>>, %arg5: memref<32x10240xf32, #tpu.memory_space<hbm>>, %arg6: memref<32x2x10080xi32, #tpu.memory_space<hbm>>, %arg7: memref<32x2x10080xi32, #tpu.memory_space<hbm>>, %arg8: memref<2x32x16xi32, #tpu.memory_space<hbm>>, %arg9: memref<10000xi32, #tpu.memory_space<vmem>>, %arg10: memref<10000xi32, #tpu.memory_space<vmem>>, %arg11: memref<10240xf32, #tpu.memory_space<vmem>>, %arg12: memref<10080xi32, #tpu.memory_space<vmem>>, %arg13: memref<10080xi32, #tpu.memory_space<vmem>>, %arg14: memref<10080xi32, #tpu.memory_space<vmem>>, %arg15: memref<10080xi32, #tpu.memory_space<vmem>>, %arg16: memref<16xi32, #tpu.memory_space<vmem>>) attributes {dimension_semantics = [#tpu.dimension_semantics<core_parallel>, #tpu.dimension_semantics<subcore_parallel>], iteration_bounds = array<i64: 2, 16>, scalar_prefetch = 0 : i64, scratch_operands = 8 : i64, tpu.core_type = #tpu.core_type<sc_vector_subcore>, window_params = [{transform_indices = #map}, {transform_indices = #map}, {transform_indices = #map1}, {transform_indices = #map}, {transform_indices = #map2}, {transform_indices = #map2}, {transform_indices = #map2}]} {
    %mul3A = arith.constant 2 : i32
    %mul3A_0 = arith.muli %arg1, %mul3A : i32
    %add3A = arith.addi %mul3A_0, %arg0 : i32
    "tpu.region"() ({
      %run_scoped3A_151 = tpu.sem_alloc : memref<!tpu.dma_semaphore, #tpu.memory_space<semaphore_mem>>
      tpu.enqueue_dma source(%arg4 : memref<10240xf32, #tpu.memory_space<hbm>>) target(%arg11 : memref<10240xf32, #tpu.memory_space<vmem>>) target_semaphore(%run_scoped3A_151 : memref<!tpu.dma_semaphore, #tpu.memory_space<semaphore_mem>>)
      tpu.wait_dma2 semaphore(%run_scoped3A_151 : memref<!tpu.dma_semaphore, #tpu.memory_space<semaphore_mem>>) src(%arg4 : memref<10240xf32, #tpu.memory_space<hbm>>) dst(%arg11 : memref<10240xf32, #tpu.memory_space<vmem>>)
      tpu.yield
    }) : () -> ()
    "tpu.region"() ({
      %run_scoped3A_151 = tpu.sem_alloc : memref<!tpu.dma_semaphore, #tpu.memory_space<semaphore_mem>>
      %dma_start3A = arith.constant 0 : i32
      %dma_start3A_152 = tpu.memref_slice %arg2[%add3A, %dma_start3A] : memref<32x10000xi32, #tpu.memory_space<hbm>> -> memref<1x10000xi32, #tpu.memory_space<hbm>>
      %dma_start3A_153 = tpu.memref_squeeze %dma_start3A_152 : memref<1x10000xi32, #tpu.memory_space<hbm>> -> memref<10000xi32, #tpu.memory_space<hbm>>
      %dma_start3A_154 = arith.constant 0 : i32
      %dma_start3A_155 = tpu.memref_slice %arg2[%add3A, %dma_start3A_154] : memref<32x10000xi32, #tpu.memory_space<hbm>> -> memref<1x10000xi32, #tpu.memory_space<hbm>>
      %dma_start3A_156 = tpu.memref_squeeze %dma_start3A_155 : memref<1x10000xi32, #tpu.memory_space<hbm>> -> memref<10000xi32, #tpu.memory_space<hbm>>
      tpu.enqueue_dma source(%dma_start3A_156 : memref<10000xi32, #tpu.memory_space<hbm>>) target(%arg9 : memref<10000xi32, #tpu.memory_space<vmem>>) target_semaphore(%run_scoped3A_151 : memref<!tpu.dma_semaphore, #tpu.memory_space<semaphore_mem>>)
      %dma_wait3A = arith.constant 0 : i32
      %dma_wait3A_157 = tpu.memref_slice %arg2[%add3A, %dma_wait3A] : memref<32x10000xi32, #tpu.memory_space<hbm>> -> memref<1x10000xi32, #tpu.memory_space<hbm>>
      %dma_wait3A_158 = tpu.memref_squeeze %dma_wait3A_157 : memref<1x10000xi32, #tpu.memory_space<hbm>> -> memref<10000xi32, #tpu.memory_space<hbm>>
      %dma_wait3A_159 = arith.constant 0 : i32
      %dma_wait3A_160 = tpu.memref_slice %arg2[%add3A, %dma_wait3A_159] : memref<32x10000xi32, #tpu.memory_space<hbm>> -> memref<1x10000xi32, #tpu.memory_space<hbm>>
      %dma_wait3A_161 = tpu.memref_squeeze %dma_wait3A_160 : memref<1x10000xi32, #tpu.memory_space<hbm>> -> memref<10000xi32, #tpu.memory_space<hbm>>
      tpu.wait_dma2 semaphore(%run_scoped3A_151 : memref<!tpu.dma_semaphore, #tpu.memory_space<semaphore_mem>>) src(%dma_wait3A_161 : memref<10000xi32, #tpu.memory_space<hbm>>) dst(%arg9 : memref<10000xi32, #tpu.memory_space<vmem>>)
      tpu.yield
    }) : () -> ()
    "tpu.region"() ({
      %run_scoped3A_151 = tpu.sem_alloc : memref<!tpu.dma_semaphore, #tpu.memory_space<semaphore_mem>>
      %dma_start3A = arith.constant 0 : i32
      %dma_start3A_152 = tpu.memref_slice %arg3[%add3A, %dma_start3A] : memref<32x10000xi32, #tpu.memory_space<hbm>> -> memref<1x10000xi32, #tpu.memory_space<hbm>>
      %dma_start3A_153 = tpu.memref_squeeze %dma_start3A_152 : memref<1x10000xi32, #tpu.memory_space<hbm>> -> memref<10000xi32, #tpu.memory_space<hbm>>
      %dma_start3A_154 = arith.constant 0 : i32
      %dma_start3A_155 = tpu.memref_slice %arg3[%add3A, %dma_start3A_154] : memref<32x10000xi32, #tpu.memory_space<hbm>> -> memref<1x10000xi32, #tpu.memory_space<hbm>>
      %dma_start3A_156 = tpu.memref_squeeze %dma_start3A_155 : memref<1x10000xi32, #tpu.memory_space<hbm>> -> memref<10000xi32, #tpu.memory_space<hbm>>
      tpu.enqueue_dma source(%dma_start3A_156 : memref<10000xi32, #tpu.memory_space<hbm>>) target(%arg10 : memref<10000xi32, #tpu.memory_space<vmem>>) target_semaphore(%run_scoped3A_151 : memref<!tpu.dma_semaphore, #tpu.memory_space<semaphore_mem>>)
      %dma_wait3A = arith.constant 0 : i32
      %dma_wait3A_157 = tpu.memref_slice %arg3[%add3A, %dma_wait3A] : memref<32x10000xi32, #tpu.memory_space<hbm>> -> memref<1x10000xi32, #tpu.memory_space<hbm>>
      %dma_wait3A_158 = tpu.memref_squeeze %dma_wait3A_157 : memref<1x10000xi32, #tpu.memory_space<hbm>> -> memref<10000xi32, #tpu.memory_space<hbm>>
      %dma_wait3A_159 = arith.constant 0 : i32
      %dma_wait3A_160 = tpu.memref_slice %arg3[%add3A, %dma_wait3A_159] : memref<32x10000xi32, #tpu.memory_space<hbm>> -> memref<1x10000xi32, #tpu.memory_space<hbm>>
      %dma_wait3A_161 = tpu.memref_squeeze %dma_wait3A_160 : memref<1x10000xi32, #tpu.memory_space<hbm>> -> memref<10000xi32, #tpu.memory_space<hbm>>
      tpu.wait_dma2 semaphore(%run_scoped3A_151 : memref<!tpu.dma_semaphore, #tpu.memory_space<semaphore_mem>>) src(%dma_wait3A_161 : memref<10000xi32, #tpu.memory_space<hbm>>) dst(%arg10 : memref<10000xi32, #tpu.memory_space<vmem>>)
      tpu.yield
    }) : () -> ()
    %broadcast_in_dim3A = arith.constant 1.000000e+00 : f32
    %broadcast_in_dim3A_1 = vector.broadcast %broadcast_in_dim3A : f32 to vector<16xf32>
    %scan3A = arith.constant 0 : i32
    %scan3A_2 = arith.constant 0 : i32
    %scan3A_3 = arith.constant 0 : i32
    %scan3A_4 = arith.constant 625 : i32
    %scan3A_5 = arith.addi %scan3A_3, %scan3A_4 : i32
    %scan3A_6 = arith.constant 1 : i32
    %scan3A_7:2 = scf.for %scan3A_151 = %scan3A_3 to %scan3A_5 step %scan3A_6 iter_args(%scan3A_152 = %scan3A, %scan3A_153 = %scan3A_2) -> (i32, i32)  : i32 {
      %mul3A_154 = arith.constant 16 : i32
      %mul3A_155 = arith.muli %scan3A_151, %mul3A_154 : i32
      %get3A = arith.index_cast %mul3A_155 : i32 to index
      %get3A_156 = tpu.vector_load %arg9[%get3A] {strides = array<i32>} : memref<10000xi32, #tpu.memory_space<vmem>>, vector<16xi32>,
      %mul3A_157 = arith.constant 16 : i32
      %mul3A_158 = arith.muli %scan3A_151, %mul3A_157 : i32
      %get3A_159 = arith.index_cast %mul3A_158 : i32 to index
      %get3A_160 = tpu.vector_load %arg10[%get3A_159] {strides = array<i32>} : memref<10000xi32, #tpu.memory_space<vmem>>, vector<16xi32>,
      tpu.vector_store_idx %arg11[%get3A_160], %broadcast_in_dim3A_1 {add = true} : memref<10240xf32, #tpu.memory_space<vmem>>[vector<16xi32>], vector<16xf32>,
      %lt3A = arith.constant 5000 : i32
      %lt3A_161 = vector.broadcast %lt3A : i32 to vector<16xi32>
      %lt3A_162 = arith.cmpi slt, %get3A_160, %lt3A_161 : vector<16xi32>
      %sub3A_163 = arith.constant 5000 : i32
      %sub3A_164 = vector.broadcast %sub3A_163 : i32 to vector<16xi32>
      %sub3A_165 = arith.subi %get3A_160, %sub3A_164 : vector<16xi32>
      %select_n3A_166 = arith.select %lt3A_162, %get3A_160, %sub3A_165 : vector<16xi1>, vector<16xi32>
      %swap3A_167 = arith.index_cast %scan3A_152 : i32 to index
      %swap3A_168 = tpu.vector_load %arg12[%swap3A_167] masked %lt3A_162 {strides = array<i32>} : memref<10080xi32, #tpu.memory_space<vmem>>, vector<16xi32>, vector<16xi1>
      tpu.vector_store %arg12[%swap3A_167], %get3A_156 masked %lt3A_162 {strides = array<i32>} : memref<10080xi32, #tpu.memory_space<vmem>>, vector<16xi32>, vector<16xi1>
      %swap3A_169 = arith.index_cast %scan3A_152 : i32 to index
      %swap3A_170 = tpu.vector_load %arg14[%swap3A_169] masked %lt3A_162 {strides = array<i32>} : memref<10080xi32, #tpu.memory_space<vmem>>, vector<16xi32>, vector<16xi1>
      tpu.vector_store %arg14[%swap3A_169], %select_n3A_166 masked %lt3A_162 {strides = array<i32>} : memref<10080xi32, #tpu.memory_space<vmem>>, vector<16xi32>, vector<16xi1>
      %not3A = arith.constant dense<true> : vector<16xi1>
      %not3A_171 = arith.xori %lt3A_162, %not3A : vector<16xi1>
      %swap3A_172 = arith.index_cast %scan3A_153 : i32 to index
      %swap3A_173 = tpu.vector_load %arg13[%swap3A_172] masked %not3A_171 {strides = array<i32>} : memref<10080xi32, #tpu.memory_space<vmem>>, vector<16xi32>, vector<16xi1>
      tpu.vector_store %arg13[%swap3A_172], %get3A_156 masked %not3A_171 {strides = array<i32>} : memref<10080xi32, #tpu.memory_space<vmem>>, vector<16xi32>, vector<16xi1>
      %swap3A_174 = arith.index_cast %scan3A_153 : i32 to index
      %swap3A_175 = tpu.vector_load %arg15[%swap3A_174] masked %not3A_171 {strides = array<i32>} : memref<10080xi32, #tpu.memory_space<vmem>>, vector<16xi32>, vector<16xi1>
      tpu.vector_store %arg15[%swap3A_174], %select_n3A_166 masked %not3A_171 {strides = array<i32>} : memref<10080xi32, #tpu.memory_space<vmem>>, vector<16xi32>, vector<16xi1>
      %all_reduce_population_count3A = tpu.all_reduce %lt3A_162 {dim = 0 : i64, kind = #tpu.reduction_kind<sum>} : vector<16xi1> -> vector<16xi32>
      %slice3A = vector.extract_strided_slice %all_reduce_population_count3A {offsets = [0], sizes = [1], strides = [1]} : vector<16xi32> to vector<1xi32>
      %squeeze3A = vector.extract %slice3A[0] : i32 from vector<1xi32>
      %add3A_176 = arith.addi %scan3A_152, %squeeze3A : i32
      %sub3A_177 = arith.constant 16 : i32
      %sub3A_178 = arith.subi %sub3A_177, %squeeze3A : i32
      %add3A_179 = arith.addi %scan3A_153, %sub3A_178 : i32
      scf.yield %add3A_176, %add3A_179 : i32, i32
    }
    %scan3A_8 = arith.constant 625 : i32
    %broadcast_in_dim3A_9 = arith.constant 0 : i32
    %broadcast_in_dim3A_10 = vector.broadcast %broadcast_in_dim3A_9 : i32 to vector<16xi32>
    %broadcast_in_dim3A_11 = arith.constant 5119 : i32
    %broadcast_in_dim3A_12 = vector.broadcast %broadcast_in_dim3A_11 : i32 to vector<16xi32>
    %add3A_13 = arith.constant 0 : i32
    %add3A_14 = arith.addi %scan3A_7#0, %add3A_13 : i32
    %swap3A = arith.index_cast %add3A_14 : i32 to index
    %swap3A_15 = tpu.vector_load %arg12[%swap3A] {strides = array<i32>} : memref<10080xi32, #tpu.memory_space<vmem>>, vector<16xi32>,
    tpu.vector_store %arg12[%swap3A], %broadcast_in_dim3A_10 {strides = array<i32>} : memref<10080xi32, #tpu.memory_space<vmem>>, vector<16xi32>,
    %add3A_16 = arith.constant 0 : i32
    %add3A_17 = arith.addi %scan3A_7#0, %add3A_16 : i32
    %swap3A_18 = arith.index_cast %add3A_17 : i32 to index
    %swap3A_19 = tpu.vector_load %arg14[%swap3A_18] {strides = array<i32>} : memref<10080xi32, #tpu.memory_space<vmem>>, vector<16xi32>,
    tpu.vector_store %arg14[%swap3A_18], %broadcast_in_dim3A_12 {strides = array<i32>} : memref<10080xi32, #tpu.memory_space<vmem>>, vector<16xi32>,
    %add3A_20 = arith.constant 0 : i32
    %add3A_21 = arith.addi %scan3A_7#1, %add3A_20 : i32
    %swap3A_22 = arith.index_cast %add3A_21 : i32 to index
    %swap3A_23 = tpu.vector_load %arg13[%swap3A_22] {strides = array<i32>} : memref<10080xi32, #tpu.memory_space<vmem>>, vector<16xi32>,
    tpu.vector_store %arg13[%swap3A_22], %broadcast_in_dim3A_10 {strides = array<i32>} : memref<10080xi32, #tpu.memory_space<vmem>>, vector<16xi32>,
    %add3A_24 = arith.constant 0 : i32
    %add3A_25 = arith.addi %scan3A_7#1, %add3A_24 : i32
    %swap3A_26 = arith.index_cast %add3A_25 : i32 to index
    %swap3A_27 = tpu.vector_load %arg15[%swap3A_26] {strides = array<i32>} : memref<10080xi32, #tpu.memory_space<vmem>>, vector<16xi32>,
    tpu.vector_store %arg15[%swap3A_26], %broadcast_in_dim3A_12 {strides = array<i32>} : memref<10080xi32, #tpu.memory_space<vmem>>, vector<16xi32>,
    %add3A_28 = arith.constant 16 : i32
    %add3A_29 = arith.addi %scan3A_7#0, %add3A_28 : i32
    %swap3A_30 = arith.index_cast %add3A_29 : i32 to index
    %swap3A_31 = tpu.vector_load %arg12[%swap3A_30] {strides = array<i32>} : memref<10080xi32, #tpu.memory_space<vmem>>, vector<16xi32>,
    tpu.vector_store %arg12[%swap3A_30], %broadcast_in_dim3A_10 {strides = array<i32>} : memref<10080xi32, #tpu.memory_space<vmem>>, vector<16xi32>,
    %add3A_32 = arith.constant 16 : i32
    %add3A_33 = arith.addi %scan3A_7#0, %add3A_32 : i32
    %swap3A_34 = arith.index_cast %add3A_33 : i32 to index
    %swap3A_35 = tpu.vector_load %arg14[%swap3A_34] {strides = array<i32>} : memref<10080xi32, #tpu.memory_space<vmem>>, vector<16xi32>,
    tpu.vector_store %arg14[%swap3A_34], %broadcast_in_dim3A_12 {strides = array<i32>} : memref<10080xi32, #tpu.memory_space<vmem>>, vector<16xi32>,
    %add3A_36 = arith.constant 16 : i32
    %add3A_37 = arith.addi %scan3A_7#1, %add3A_36 : i32
    %swap3A_38 = arith.index_cast %add3A_37 : i32 to index
    %swap3A_39 = tpu.vector_load %arg13[%swap3A_38] {strides = array<i32>} : memref<10080xi32, #tpu.memory_space<vmem>>, vector<16xi32>,
    tpu.vector_store %arg13[%swap3A_38], %broadcast_in_dim3A_10 {strides = array<i32>} : memref<10080xi32, #tpu.memory_space<vmem>>, vector<16xi32>,
    %add3A_40 = arith.constant 16 : i32
    %add3A_41 = arith.addi %scan3A_7#1, %add3A_40 : i32
    %swap3A_42 = arith.index_cast %add3A_41 : i32 to index
    %swap3A_43 = tpu.vector_load %arg15[%swap3A_42] {strides = array<i32>} : memref<10080xi32, #tpu.memory_space<vmem>>, vector<16xi32>,
    tpu.vector_store %arg15[%swap3A_42], %broadcast_in_dim3A_12 {strides = array<i32>} : memref<10080xi32, #tpu.memory_space<vmem>>, vector<16xi32>,
    %add3A_44 = arith.constant 32 : i32
    %add3A_45 = arith.addi %scan3A_7#0, %add3A_44 : i32
    %swap3A_46 = arith.index_cast %add3A_45 : i32 to index
    %swap3A_47 = tpu.vector_load %arg12[%swap3A_46] {strides = array<i32>} : memref<10080xi32, #tpu.memory_space<vmem>>, vector<16xi32>,
    tpu.vector_store %arg12[%swap3A_46], %broadcast_in_dim3A_10 {strides = array<i32>} : memref<10080xi32, #tpu.memory_space<vmem>>, vector<16xi32>,
    %add3A_48 = arith.constant 32 : i32
    %add3A_49 = arith.addi %scan3A_7#0, %add3A_48 : i32
    %swap3A_50 = arith.index_cast %add3A_49 : i32 to index
    %swap3A_51 = tpu.vector_load %arg14[%swap3A_50] {strides = array<i32>} : memref<10080xi32, #tpu.memory_space<vmem>>, vector<16xi32>,
    tpu.vector_store %arg14[%swap3A_50], %broadcast_in_dim3A_12 {strides = array<i32>} : memref<10080xi32, #tpu.memory_space<vmem>>, vector<16xi32>,
    %add3A_52 = arith.constant 32 : i32
    %add3A_53 = arith.addi %scan3A_7#1, %add3A_52 : i32
    %swap3A_54 = arith.index_cast %add3A_53 : i32 to index
    %swap3A_55 = tpu.vector_load %arg13[%swap3A_54] {strides = array<i32>} : memref<10080xi32, #tpu.memory_space<vmem>>, vector<16xi32>,
    tpu.vector_store %arg13[%swap3A_54], %broadcast_in_dim3A_10 {strides = array<i32>} : memref<10080xi32, #tpu.memory_space<vmem>>, vector<16xi32>,
    %add3A_56 = arith.constant 32 : i32
    %add3A_57 = arith.addi %scan3A_7#1, %add3A_56 : i32
    %swap3A_58 = arith.index_cast %add3A_57 : i32 to index
    %swap3A_59 = tpu.vector_load %arg15[%swap3A_58] {strides = array<i32>} : memref<10080xi32, #tpu.memory_space<vmem>>, vector<16xi32>,
    tpu.vector_store %arg15[%swap3A_58], %broadcast_in_dim3A_12 {strides = array<i32>} : memref<10080xi32, #tpu.memory_space<vmem>>, vector<16xi32>,
    %add3A_60 = arith.constant 48 : i32
    %add3A_61 = arith.addi %scan3A_7#0, %add3A_60 : i32
    %swap3A_62 = arith.index_cast %add3A_61 : i32 to index
    %swap3A_63 = tpu.vector_load %arg12[%swap3A_62] {strides = array<i32>} : memref<10080xi32, #tpu.memory_space<vmem>>, vector<16xi32>,
    tpu.vector_store %arg12[%swap3A_62], %broadcast_in_dim3A_10 {strides = array<i32>} : memref<10080xi32, #tpu.memory_space<vmem>>, vector<16xi32>,
    %add3A_64 = arith.constant 48 : i32
    %add3A_65 = arith.addi %scan3A_7#0, %add3A_64 : i32
    %swap3A_66 = arith.index_cast %add3A_65 : i32 to index
    %swap3A_67 = tpu.vector_load %arg14[%swap3A_66] {strides = array<i32>} : memref<10080xi32, #tpu.memory_space<vmem>>, vector<16xi32>,
    tpu.vector_store %arg14[%swap3A_66], %broadcast_in_dim3A_12 {strides = array<i32>} : memref<10080xi32, #tpu.memory_space<vmem>>, vector<16xi32>,
    %add3A_68 = arith.constant 48 : i32
    %add3A_69 = arith.addi %scan3A_7#1, %add3A_68 : i32
    %swap3A_70 = arith.index_cast %add3A_69 : i32 to index
    %swap3A_71 = tpu.vector_load %arg13[%swap3A_70] {strides = array<i32>} : memref<10080xi32, #tpu.memory_space<vmem>>, vector<16xi32>,
    tpu.vector_store %arg13[%swap3A_70], %broadcast_in_dim3A_10 {strides = array<i32>} : memref<10080xi32, #tpu.memory_space<vmem>>, vector<16xi32>,
    %add3A_72 = arith.constant 48 : i32
    %add3A_73 = arith.addi %scan3A_7#1, %add3A_72 : i32
    %swap3A_74 = arith.index_cast %add3A_73 : i32 to index
    %swap3A_75 = tpu.vector_load %arg15[%swap3A_74] {strides = array<i32>} : memref<10080xi32, #tpu.memory_space<vmem>>, vector<16xi32>,
    tpu.vector_store %arg15[%swap3A_74], %broadcast_in_dim3A_12 {strides = array<i32>} : memref<10080xi32, #tpu.memory_space<vmem>>, vector<16xi32>,
    %add3A_76 = arith.constant 64 : i32
    %add3A_77 = arith.addi %scan3A_7#0, %add3A_76 : i32
    %swap3A_78 = arith.index_cast %add3A_77 : i32 to index
    %swap3A_79 = tpu.vector_load %arg12[%swap3A_78] {strides = array<i32>} : memref<10080xi32, #tpu.memory_space<vmem>>, vector<16xi32>,
    tpu.vector_store %arg12[%swap3A_78], %broadcast_in_dim3A_10 {strides = array<i32>} : memref<10080xi32, #tpu.memory_space<vmem>>, vector<16xi32>,
    %add3A_80 = arith.constant 64 : i32
    %add3A_81 = arith.addi %scan3A_7#0, %add3A_80 : i32
    %swap3A_82 = arith.index_cast %add3A_81 : i32 to index
    %swap3A_83 = tpu.vector_load %arg14[%swap3A_82] {strides = array<i32>} : memref<10080xi32, #tpu.memory_space<vmem>>, vector<16xi32>,
    tpu.vector_store %arg14[%swap3A_82], %broadcast_in_dim3A_12 {strides = array<i32>} : memref<10080xi32, #tpu.memory_space<vmem>>, vector<16xi32>,
    %add3A_84 = arith.constant 64 : i32
    %add3A_85 = arith.addi %scan3A_7#1, %add3A_84 : i32
    %swap3A_86 = arith.index_cast %add3A_85 : i32 to index
    %swap3A_87 = tpu.vector_load %arg13[%swap3A_86] {strides = array<i32>} : memref<10080xi32, #tpu.memory_space<vmem>>, vector<16xi32>,
    tpu.vector_store %arg13[%swap3A_86], %broadcast_in_dim3A_10 {strides = array<i32>} : memref<10080xi32, #tpu.memory_space<vmem>>, vector<16xi32>,
    %add3A_88 = arith.constant 64 : i32
    %add3A_89 = arith.addi %scan3A_7#1, %add3A_88 : i32
    %swap3A_90 = arith.index_cast %add3A_89 : i32 to index
    %swap3A_91 = tpu.vector_load %arg15[%swap3A_90] {strides = array<i32>} : memref<10080xi32, #tpu.memory_space<vmem>>, vector<16xi32>,
    tpu.vector_store %arg15[%swap3A_90], %broadcast_in_dim3A_12 {strides = array<i32>} : memref<10080xi32, #tpu.memory_space<vmem>>, vector<16xi32>,
    %add3A_92 = arith.constant 79 : i32
    %add3A_93 = arith.addi %scan3A_7#0, %add3A_92 : i32
    %jit3A = arith.constant 80 : i32
    %div3A = arith.divsi %add3A_93, %jit3A : i32
    %sign3A = arith.constant 0 : i32
    %sign3A_94 = arith.cmpi sgt, %add3A_93, %sign3A : i32
    %sign3A_95 = arith.extui %sign3A_94 : i1 to i32
    %sign3A_96 = arith.constant 0 : i32
    %sign3A_97 = arith.cmpi slt, %add3A_93, %sign3A_96 : i32
    %sign3A_98 = arith.extui %sign3A_97 : i1 to i32
    %sign3A_99 = arith.subi %sign3A_95, %sign3A_98 : i32
    %sign3A_100 = arith.constant 0 : i32
    %sign3A_101 = arith.cmpi sgt, %jit3A, %sign3A_100 : i32
    %sign3A_102 = arith.extui %sign3A_101 : i1 to i32
    %sign3A_103 = arith.constant 0 : i32
    %sign3A_104 = arith.cmpi slt, %jit3A, %sign3A_103 : i32
    %sign3A_105 = arith.extui %sign3A_104 : i1 to i32
    %sign3A_106 = arith.subi %sign3A_102, %sign3A_105 : i32
    %ne3A = arith.cmpi ne, %sign3A_99, %sign3A_106 : i32
    %rem3A = arith.remsi %add3A_93, %jit3A : i32
    %ne3A_107 = arith.constant 0 : i32
    %ne3A_108 = arith.cmpi ne, %rem3A, %ne3A_107 : i32
    %and3A = arith.andi %ne3A, %ne3A_108 : i1
    %sub3A = arith.constant 1 : i32
    %sub3A_109 = arith.subi %div3A, %sub3A : i32
    %select_n3A = arith.select %and3A, %sub3A_109, %div3A : i32
    %add3A_110 = arith.constant 79 : i32
    %add3A_111 = arith.addi %scan3A_7#1, %add3A_110 : i32
    %jit3A_112 = arith.constant 80 : i32
    %div3A_113 = arith.divsi %add3A_111, %jit3A_112 : i32
    %sign3A_114 = arith.constant 0 : i32
    %sign3A_115 = arith.cmpi sgt, %add3A_111, %sign3A_114 : i32
    %sign3A_116 = arith.extui %sign3A_115 : i1 to i32
    %sign3A_117 = arith.constant 0 : i32
    %sign3A_118 = arith.cmpi slt, %add3A_111, %sign3A_117 : i32
    %sign3A_119 = arith.extui %sign3A_118 : i1 to i32
    %sign3A_120 = arith.subi %sign3A_116, %sign3A_119 : i32
    %sign3A_121 = arith.constant 0 : i32
    %sign3A_122 = arith.cmpi sgt, %jit3A_112, %sign3A_121 : i32
    %sign3A_123 = arith.extui %sign3A_122 : i1 to i32
    %sign3A_124 = arith.constant 0 : i32
    %sign3A_125 = arith.cmpi slt, %jit3A_112, %sign3A_124 : i32
    %sign3A_126 = arith.extui %sign3A_125 : i1 to i32
    %sign3A_127 = arith.subi %sign3A_123, %sign3A_126 : i32
    %ne3A_128 = arith.cmpi ne, %sign3A_120, %sign3A_127 : i32
    %rem3A_129 = arith.remsi %add3A_111, %jit3A_112 : i32
    %ne3A_130 = arith.constant 0 : i32
    %ne3A_131 = arith.cmpi ne, %rem3A_129, %ne3A_130 : i32
    %and3A_132 = arith.andi %ne3A_128, %ne3A_131 : i1
    %sub3A_133 = arith.constant 1 : i32
    %sub3A_134 = arith.subi %div3A_113, %sub3A_133 : i32
    %select_n3A_135 = arith.select %and3A_132, %sub3A_134, %div3A_113 : i32
    %broadcast_in_dim3A_136 = arith.constant 1 : i32
    %broadcast_in_dim3A_137 = vector.broadcast %broadcast_in_dim3A_136 : i32 to vector<16xi32>
    "tpu.region"() ({
      %run_scoped3A_151 = tpu.sem_alloc : memref<!tpu.dma_semaphore, #tpu.memory_space<semaphore_mem>>
      %dma_start3A = arith.constant 0 : i32
      %dma_start3A_152 = tpu.memref_slice %arg5[%add3A, %dma_start3A] : memref<32x10240xf32, #tpu.memory_space<hbm>> -> memref<1x10240xf32, #tpu.memory_space<hbm>>
      %dma_start3A_153 = tpu.memref_squeeze %dma_start3A_152 : memref<1x10240xf32, #tpu.memory_space<hbm>> -> memref<10240xf32, #tpu.memory_space<hbm>>
      %dma_start3A_154 = arith.constant 0 : i32
      %dma_start3A_155 = tpu.memref_slice %arg5[%add3A, %dma_start3A_154] : memref<32x10240xf32, #tpu.memory_space<hbm>> -> memref<1x10240xf32, #tpu.memory_space<hbm>>
      %dma_start3A_156 = tpu.memref_squeeze %dma_start3A_155 : memref<1x10240xf32, #tpu.memory_space<hbm>> -> memref<10240xf32, #tpu.memory_space<hbm>>
      tpu.enqueue_dma source(%arg11 : memref<10240xf32, #tpu.memory_space<vmem>>) target(%dma_start3A_156 : memref<10240xf32, #tpu.memory_space<hbm>>) target_semaphore(%run_scoped3A_151 : memref<!tpu.dma_semaphore, #tpu.memory_space<semaphore_mem>>)
      %dma_wait3A = arith.constant 0 : i32
      %dma_wait3A_157 = tpu.memref_slice %arg5[%add3A, %dma_wait3A] : memref<32x10240xf32, #tpu.memory_space<hbm>> -> memref<1x10240xf32, #tpu.memory_space<hbm>>
      %dma_wait3A_158 = tpu.memref_squeeze %dma_wait3A_157 : memref<1x10240xf32, #tpu.memory_space<hbm>> -> memref<10240xf32, #tpu.memory_space<hbm>>
      %dma_wait3A_159 = arith.constant 0 : i32
      %dma_wait3A_160 = tpu.memref_slice %arg5[%add3A, %dma_wait3A_159] : memref<32x10240xf32, #tpu.memory_space<hbm>> -> memref<1x10240xf32, #tpu.memory_space<hbm>>
      %dma_wait3A_161 = tpu.memref_squeeze %dma_wait3A_160 : memref<1x10240xf32, #tpu.memory_space<hbm>> -> memref<10240xf32, #tpu.memory_space<hbm>>
      tpu.wait_dma2 semaphore(%run_scoped3A_151 : memref<!tpu.dma_semaphore, #tpu.memory_space<semaphore_mem>>) src(%arg11 : memref<10240xf32, #tpu.memory_space<vmem>>) dst(%dma_wait3A_161 : memref<10240xf32, #tpu.memory_space<hbm>>)
      tpu.yield
    }) : () -> ()
    %run_scoped3A = arith.constant 0 : i32
    "tpu.region"() ({
      %run_scoped3A_151 = tpu.sem_alloc : memref<!tpu.dma_semaphore, #tpu.memory_space<semaphore_mem>>
      %dma_start3A = arith.constant 0 : i32
      %dma_start3A_152 = tpu.memref_slice %arg6[%add3A, %run_scoped3A, %dma_start3A] : memref<32x2x10080xi32, #tpu.memory_space<hbm>> -> memref<1x1x10080xi32, #tpu.memory_space<hbm>>
      %dma_start3A_153 = tpu.memref_squeeze %dma_start3A_152 : memref<1x1x10080xi32, #tpu.memory_space<hbm>> -> memref<10080xi32, #tpu.memory_space<hbm>>
      %dma_start3A_154 = arith.constant 0 : i32
      %dma_start3A_155 = tpu.memref_slice %arg6[%add3A, %run_scoped3A, %dma_start3A_154] : memref<32x2x10080xi32, #tpu.memory_space<hbm>> -> memref<1x1x10080xi32, #tpu.memory_space<hbm>>
      %dma_start3A_156 = tpu.memref_squeeze %dma_start3A_155 : memref<1x1x10080xi32, #tpu.memory_space<hbm>> -> memref<10080xi32, #tpu.memory_space<hbm>>
      tpu.enqueue_dma source(%arg12 : memref<10080xi32, #tpu.memory_space<vmem>>) target(%dma_start3A_156 : memref<10080xi32, #tpu.memory_space<hbm>>) target_semaphore(%run_scoped3A_151 : memref<!tpu.dma_semaphore, #tpu.memory_space<semaphore_mem>>)
      %dma_wait3A = arith.constant 0 : i32
      %dma_wait3A_157 = tpu.memref_slice %arg6[%add3A, %run_scoped3A, %dma_wait3A] : memref<32x2x10080xi32, #tpu.memory_space<hbm>> -> memref<1x1x10080xi32, #tpu.memory_space<hbm>>
      %dma_wait3A_158 = tpu.memref_squeeze %dma_wait3A_157 : memref<1x1x10080xi32, #tpu.memory_space<hbm>> -> memref<10080xi32, #tpu.memory_space<hbm>>
      %dma_wait3A_159 = arith.constant 0 : i32
      %dma_wait3A_160 = tpu.memref_slice %arg6[%add3A, %run_scoped3A, %dma_wait3A_159] : memref<32x2x10080xi32, #tpu.memory_space<hbm>> -> memref<1x1x10080xi32, #tpu.memory_space<hbm>>
      %dma_wait3A_161 = tpu.memref_squeeze %dma_wait3A_160 : memref<1x1x10080xi32, #tpu.memory_space<hbm>> -> memref<10080xi32, #tpu.memory_space<hbm>>
      tpu.wait_dma2 semaphore(%run_scoped3A_151 : memref<!tpu.dma_semaphore, #tpu.memory_space<semaphore_mem>>) src(%arg12 : memref<10080xi32, #tpu.memory_space<vmem>>) dst(%dma_wait3A_161 : memref<10080xi32, #tpu.memory_space<hbm>>)
      tpu.yield
    }) : () -> ()
    %run_scoped3A_138 = arith.constant 1 : i32
    "tpu.region"() ({
      %run_scoped3A_151 = tpu.sem_alloc : memref<!tpu.dma_semaphore, #tpu.memory_space<semaphore_mem>>
      %dma_start3A = arith.constant 0 : i32
      %dma_start3A_152 = tpu.memref_slice %arg6[%add3A, %run_scoped3A_138, %dma_start3A] : memref<32x2x10080xi32, #tpu.memory_space<hbm>> -> memref<1x1x10080xi32, #tpu.memory_space<hbm>>
      %dma_start3A_153 = tpu.memref_squeeze %dma_start3A_152 : memref<1x1x10080xi32, #tpu.memory_space<hbm>> -> memref<10080xi32, #tpu.memory_space<hbm>>
      %dma_start3A_154 = arith.constant 0 : i32
      %dma_start3A_155 = tpu.memref_slice %arg6[%add3A, %run_scoped3A_138, %dma_start3A_154] : memref<32x2x10080xi32, #tpu.memory_space<hbm>> -> memref<1x1x10080xi32, #tpu.memory_space<hbm>>
      %dma_start3A_156 = tpu.memref_squeeze %dma_start3A_155 : memref<1x1x10080xi32, #tpu.memory_space<hbm>> -> memref<10080xi32, #tpu.memory_space<hbm>>
      tpu.enqueue_dma source(%arg13 : memref<10080xi32, #tpu.memory_space<vmem>>) target(%dma_start3A_156 : memref<10080xi32, #tpu.memory_space<hbm>>) target_semaphore(%run_scoped3A_151 : memref<!tpu.dma_semaphore, #tpu.memory_space<semaphore_mem>>)
      %dma_wait3A = arith.constant 0 : i32
      %dma_wait3A_157 = tpu.memref_slice %arg6[%add3A, %run_scoped3A_138, %dma_wait3A] : memref<32x2x10080xi32, #tpu.memory_space<hbm>> -> memref<1x1x10080xi32, #tpu.memory_space<hbm>>
      %dma_wait3A_158 = tpu.memref_squeeze %dma_wait3A_157 : memref<1x1x10080xi32, #tpu.memory_space<hbm>> -> memref<10080xi32, #tpu.memory_space<hbm>>
      %dma_wait3A_159 = arith.constant 0 : i32
      %dma_wait3A_160 = tpu.memref_slice %arg6[%add3A, %run_scoped3A_138, %dma_wait3A_159] : memref<32x2x10080xi32, #tpu.memory_space<hbm>> -> memref<1x1x10080xi32, #tpu.memory_space<hbm>>
      %dma_wait3A_161 = tpu.memref_squeeze %dma_wait3A_160 : memref<1x1x10080xi32, #tpu.memory_space<hbm>> -> memref<10080xi32, #tpu.memory_space<hbm>>
      tpu.wait_dma2 semaphore(%run_scoped3A_151 : memref<!tpu.dma_semaphore, #tpu.memory_space<semaphore_mem>>) src(%arg13 : memref<10080xi32, #tpu.memory_space<vmem>>) dst(%dma_wait3A_161 : memref<10080xi32, #tpu.memory_space<hbm>>)
      tpu.yield
    }) : () -> ()
    %run_scoped3A_139 = arith.constant 0 : i32
    "tpu.region"() ({
      %run_scoped3A_151 = tpu.sem_alloc : memref<!tpu.dma_semaphore, #tpu.memory_space<semaphore_mem>>
      %dma_start3A = arith.constant 0 : i32
      %dma_start3A_152 = tpu.memref_slice %arg7[%add3A, %run_scoped3A_139, %dma_start3A] : memref<32x2x10080xi32, #tpu.memory_space<hbm>> -> memref<1x1x10080xi32, #tpu.memory_space<hbm>>
      %dma_start3A_153 = tpu.memref_squeeze %dma_start3A_152 : memref<1x1x10080xi32, #tpu.memory_space<hbm>> -> memref<10080xi32, #tpu.memory_space<hbm>>
      %dma_start3A_154 = arith.constant 0 : i32
      %dma_start3A_155 = tpu.memref_slice %arg7[%add3A, %run_scoped3A_139, %dma_start3A_154] : memref<32x2x10080xi32, #tpu.memory_space<hbm>> -> memref<1x1x10080xi32, #tpu.memory_space<hbm>>
      %dma_start3A_156 = tpu.memref_squeeze %dma_start3A_155 : memref<1x1x10080xi32, #tpu.memory_space<hbm>> -> memref<10080xi32, #tpu.memory_space<hbm>>
      tpu.enqueue_dma source(%arg14 : memref<10080xi32, #tpu.memory_space<vmem>>) target(%dma_start3A_156 : memref<10080xi32, #tpu.memory_space<hbm>>) target_semaphore(%run_scoped3A_151 : memref<!tpu.dma_semaphore, #tpu.memory_space<semaphore_mem>>)
      %dma_wait3A = arith.constant 0 : i32
      %dma_wait3A_157 = tpu.memref_slice %arg7[%add3A, %run_scoped3A_139, %dma_wait3A] : memref<32x2x10080xi32, #tpu.memory_space<hbm>> -> memref<1x1x10080xi32, #tpu.memory_space<hbm>>
      %dma_wait3A_158 = tpu.memref_squeeze %dma_wait3A_157 : memref<1x1x10080xi32, #tpu.memory_space<hbm>> -> memref<10080xi32, #tpu.memory_space<hbm>>
      %dma_wait3A_159 = arith.constant 0 : i32
      %dma_wait3A_160 = tpu.memref_slice %arg7[%add3A, %run_scoped3A_139, %dma_wait3A_159] : memref<32x2x10080xi32, #tpu.memory_space<hbm>> -> memref<1x1x10080xi32, #tpu.memory_space<hbm>>
      %dma_wait3A_161 = tpu.memref_squeeze %dma_wait3A_160 : memref<1x1x10080xi32, #tpu.memory_space<hbm>> -> memref<10080xi32, #tpu.memory_space<hbm>>
      tpu.wait_dma2 semaphore(%run_scoped3A_151 : memref<!tpu.dma_semaphore, #tpu.memory_space<semaphore_mem>>) src(%arg14 : memref<10080xi32, #tpu.memory_space<vmem>>) dst(%dma_wait3A_161 : memref<10080xi32, #tpu.memory_space<hbm>>)
      tpu.yield
    }) : () -> ()
    %run_scoped3A_140 = arith.constant 1 : i32
    "tpu.region"() ({
      %run_scoped3A_151 = tpu.sem_alloc : memref<!tpu.dma_semaphore, #tpu.memory_space<semaphore_mem>>
      %dma_start3A = arith.constant 0 : i32
      %dma_start3A_152 = tpu.memref_slice %arg7[%add3A, %run_scoped3A_140, %dma_start3A] : memref<32x2x10080xi32, #tpu.memory_space<hbm>> -> memref<1x1x10080xi32, #tpu.memory_space<hbm>>
      %dma_start3A_153 = tpu.memref_squeeze %dma_start3A_152 : memref<1x1x10080xi32, #tpu.memory_space<hbm>> -> memref<10080xi32, #tpu.memory_space<hbm>>
      %dma_start3A_154 = arith.constant 0 : i32
      %dma_start3A_155 = tpu.memref_slice %arg7[%add3A, %run_scoped3A_140, %dma_start3A_154] : memref<32x2x10080xi32, #tpu.memory_space<hbm>> -> memref<1x1x10080xi32, #tpu.memory_space<hbm>>
      %dma_start3A_156 = tpu.memref_squeeze %dma_start3A_155 : memref<1x1x10080xi32, #tpu.memory_space<hbm>> -> memref<10080xi32, #tpu.memory_space<hbm>>
      tpu.enqueue_dma source(%arg15 : memref<10080xi32, #tpu.memory_space<vmem>>) target(%dma_start3A_156 : memref<10080xi32, #tpu.memory_space<hbm>>) target_semaphore(%run_scoped3A_151 : memref<!tpu.dma_semaphore, #tpu.memory_space<semaphore_mem>>)
      %dma_wait3A = arith.constant 0 : i32
      %dma_wait3A_157 = tpu.memref_slice %arg7[%add3A, %run_scoped3A_140, %dma_wait3A] : memref<32x2x10080xi32, #tpu.memory_space<hbm>> -> memref<1x1x10080xi32, #tpu.memory_space<hbm>>
      %dma_wait3A_158 = tpu.memref_squeeze %dma_wait3A_157 : memref<1x1x10080xi32, #tpu.memory_space<hbm>> -> memref<10080xi32, #tpu.memory_space<hbm>>
      %dma_wait3A_159 = arith.constant 0 : i32
      %dma_wait3A_160 = tpu.memref_slice %arg7[%add3A, %run_scoped3A_140, %dma_wait3A_159] : memref<32x2x10080xi32, #tpu.memory_space<hbm>> -> memref<1x1x10080xi32, #tpu.memory_space<hbm>>
      %dma_wait3A_161 = tpu.memref_squeeze %dma_wait3A_160 : memref<1x1x10080xi32, #tpu.memory_space<hbm>> -> memref<10080xi32, #tpu.memory_space<hbm>>
      tpu.wait_dma2 semaphore(%run_scoped3A_151 : memref<!tpu.dma_semaphore, #tpu.memory_space<semaphore_mem>>) src(%arg15 : memref<10080xi32, #tpu.memory_space<vmem>>) dst(%dma_wait3A_161 : memref<10080xi32, #tpu.memory_space<hbm>>)
      tpu.yield
    }) : () -> ()
    %mul3A_141 = vector.broadcast %select_n3A : i32 to vector<16xi32>
    %mul3A_142 = arith.muli %broadcast_in_dim3A_137, %mul3A_141 : vector<16xi32>
    %swap3A_143 = arith.constant 0 : index
    %swap3A_144 = tpu.vector_load %arg16[%swap3A_143] {strides = array<i32>} : memref<16xi32, #tpu.memory_space<vmem>>, vector<16xi32>,
    tpu.vector_store %arg16[%swap3A_143], %mul3A_142 {strides = array<i32>} : memref<16xi32, #tpu.memory_space<vmem>>, vector<16xi32>,
    %run_scoped3A_145 = arith.constant 0 : i32
    "tpu.region"() ({
      %run_scoped3A_151 = tpu.sem_alloc : memref<!tpu.dma_semaphore, #tpu.memory_space<semaphore_mem>>
      %dma_start3A = arith.constant 0 : i32
      %dma_start3A_152 = tpu.memref_slice %arg8[%run_scoped3A_145, %add3A, %dma_start3A] : memref<2x32x16xi32, #tpu.memory_space<hbm>> -> memref<1x1x16xi32, #tpu.memory_space<hbm>>
      %dma_start3A_153 = tpu.memref_squeeze %dma_start3A_152 : memref<1x1x16xi32, #tpu.memory_space<hbm>> -> memref<16xi32, #tpu.memory_space<hbm>>
      %dma_start3A_154 = arith.constant 0 : i32
      %dma_start3A_155 = tpu.memref_slice %arg8[%run_scoped3A_145, %add3A, %dma_start3A_154] : memref<2x32x16xi32, #tpu.memory_space<hbm>> -> memref<1x1x16xi32, #tpu.memory_space<hbm>>
      %dma_start3A_156 = tpu.memref_squeeze %dma_start3A_155 : memref<1x1x16xi32, #tpu.memory_space<hbm>> -> memref<16xi32, #tpu.memory_space<hbm>>
      tpu.enqueue_dma source(%arg16 : memref<16xi32, #tpu.memory_space<vmem>>) target(%dma_start3A_156 : memref<16xi32, #tpu.memory_space<hbm>>) target_semaphore(%run_scoped3A_151 : memref<!tpu.dma_semaphore, #tpu.memory_space<semaphore_mem>>)
      %dma_wait3A = arith.constant 0 : i32
      %dma_wait3A_157 = tpu.memref_slice %arg8[%run_scoped3A_145, %add3A, %dma_wait3A] : memref<2x32x16xi32, #tpu.memory_space<hbm>> -> memref<1x1x16xi32, #tpu.memory_space<hbm>>
      %dma_wait3A_158 = tpu.memref_squeeze %dma_wait3A_157 : memref<1x1x16xi32, #tpu.memory_space<hbm>> -> memref<16xi32, #tpu.memory_space<hbm>>
      %dma_wait3A_159 = arith.constant 0 : i32
      %dma_wait3A_160 = tpu.memref_slice %arg8[%run_scoped3A_145, %add3A, %dma_wait3A_159] : memref<2x32x16xi32, #tpu.memory_space<hbm>> -> memref<1x1x16xi32, #tpu.memory_space<hbm>>
      %dma_wait3A_161 = tpu.memref_squeeze %dma_wait3A_160 : memref<1x1x16xi32, #tpu.memory_space<hbm>> -> memref<16xi32, #tpu.memory_space<hbm>>
      tpu.wait_dma2 semaphore(%run_scoped3A_151 : memref<!tpu.dma_semaphore, #tpu.memory_space<semaphore_mem>>) src(%arg16 : memref<16xi32, #tpu.memory_space<vmem>>) dst(%dma_wait3A_161 : memref<16xi32, #tpu.memory_space<hbm>>)
      tpu.yield
    }) : () -> ()
    %mul3A_146 = vector.broadcast %select_n3A_135 : i32 to vector<16xi32>
    %mul3A_147 = arith.muli %broadcast_in_dim3A_137, %mul3A_146 : vector<16xi32>
    %swap3A_148 = arith.constant 0 : index
    %swap3A_149 = tpu.vector_load %arg16[%swap3A_148] {strides = array<i32>} : memref<16xi32, #tpu.memory_space<vmem>>, vector<16xi32>,
    tpu.vector_store %arg16[%swap3A_148], %mul3A_147 {strides = array<i32>} : memref<16xi32, #tpu.memory_space<vmem>>, vector<16xi32>,
    %run_scoped3A_150 = arith.constant 1 : i32
    "tpu.region"() ({
      %run_scoped3A_151 = tpu.sem_alloc : memref<!tpu.dma_semaphore, #tpu.memory_space<semaphore_mem>>
      %dma_start3A = arith.constant 0 : i32
      %dma_start3A_152 = tpu.memref_slice %arg8[%run_scoped3A_150, %add3A, %dma_start3A] : memref<2x32x16xi32, #tpu.memory_space<hbm>> -> memref<1x1x16xi32, #tpu.memory_space<hbm>>
      %dma_start3A_153 = tpu.memref_squeeze %dma_start3A_152 : memref<1x1x16xi32, #tpu.memory_space<hbm>> -> memref<16xi32, #tpu.memory_space<hbm>>
      %dma_start3A_154 = arith.constant 0 : i32
      %dma_start3A_155 = tpu.memref_slice %arg8[%run_scoped3A_150, %add3A, %dma_start3A_154] : memref<2x32x16xi32, #tpu.memory_space<hbm>> -> memref<1x1x16xi32, #tpu.memory_space<hbm>>
      %dma_start3A_156 = tpu.memref_squeeze %dma_start3A_155 : memref<1x1x16xi32, #tpu.memory_space<hbm>> -> memref<16xi32, #tpu.memory_space<hbm>>
      tpu.enqueue_dma source(%arg16 : memref<16xi32, #tpu.memory_space<vmem>>) target(%dma_start3A_156 : memref<16xi32, #tpu.memory_space<hbm>>) target_semaphore(%run_scoped3A_151 : memref<!tpu.dma_semaphore, #tpu.memory_space<semaphore_mem>>)
      %dma_wait3A = arith.constant 0 : i32
      %dma_wait3A_157 = tpu.memref_slice %arg8[%run_scoped3A_150, %add3A, %dma_wait3A] : memref<2x32x16xi32, #tpu.memory_space<hbm>> -> memref<1x1x16xi32, #tpu.memory_space<hbm>>
      %dma_wait3A_158 = tpu.memref_squeeze %dma_wait3A_157 : memref<1x1x16xi32, #tpu.memory_space<hbm>> -> memref<16xi32, #tpu.memory_space<hbm>>
      %dma_wait3A_159 = arith.constant 0 : i32
      %dma_wait3A_160 = tpu.memref_slice %arg8[%run_scoped3A_150, %add3A, %dma_wait3A_159] : memref<2x32x16xi32, #tpu.memory_space<hbm>> -> memref<1x1x16xi32, #tpu.memory_space<hbm>>
      %dma_wait3A_161 = tpu.memref_squeeze %dma_wait3A_160 : memref<1x1x16xi32, #tpu.memory_space<hbm>> -> memref<16xi32, #tpu.memory_space<hbm>>
      tpu.wait_dma2 semaphore(%run_scoped3A_151 : memref<!tpu.dma_semaphore, #tpu.memory_space<semaphore_mem>>) src(%arg16 : memref<16xi32, #tpu.memory_space<vmem>>) dst(%dma_wait3A_161 : memref<16xi32, #tpu.memory_space<hbm>>)
      tpu.yield
    }) : () -> ()
    return
  }
}

module attributes {stable_mosaic.version = 14 : i64} {
  func.func @_dinv_body(%arg0: memref<32x10240xf32, #tpu.memory_space<vmem>>, %arg1: memref<10240x1xf32, #tpu.memory_space<vmem>>) attributes {dimension_semantics = [], scalar_prefetch = 0 : i64, scratch_operands = 0 : i64, tpu.core_type = #tpu.core_type<tc>} {
    %broadcast_in_dim3A = arith.constant 1.000000e+00 : f32
    %broadcast_in_dim3A_0 = vector.broadcast %broadcast_in_dim3A : f32 to vector<32x1xf32>
    %get3A = arith.constant 0 : index
    %get3A_1 = arith.constant 0 : index
    %get3A_2 = vector.load %arg0[%get3A, %get3A_1] : memref<32x10240xf32, #tpu.memory_space<vmem>>, vector<32x10240xf32>
    %dot_general3A = arith.constant dense<0.000000e+00> : vector<10240x1xf32>
    %dot_general3A_3 = tpu.matmul %get3A_2, %broadcast_in_dim3A_0, %dot_general3A {dimension_numbers = #tpu.dot_dimension_numbers<[0], [0], [1], [1], [0, 1, 1, 1], [], []>, transpose_lhs_hint = false} : vector<32x10240xf32>, vector<32x1xf32>, vector<10240x1xf32> -> vector<10240x1xf32>
    %add3A = arith.constant 1.000000e+00 : f32
    %add3A_4 = vector.broadcast %add3A : f32 to vector<10240x1xf32>
    %add3A_5 = arith.addf %dot_general3A_3, %add3A_4 : vector<10240x1xf32>
    %rsqrt3A = math.rsqrt %add3A_5 : vector<10240x1xf32>
    %swap3A = arith.constant 0 : index
    %swap3A_6 = arith.constant 0 : index
    %swap3A_7 = vector.load %arg1[%swap3A, %swap3A_6] : memref<10240x1xf32, #tpu.memory_space<vmem>>, vector<10240x1xf32>
    tpu.vector_store %arg1[%swap3A, %swap3A_6], %rsqrt3A {strides = array<i32>} : memref<10240x1xf32, #tpu.memory_space<vmem>>, vector<10240x1xf32>,
    return
  }
}

module attributes {stable_mosaic.version = 14 : i64} {
  func.func @_y_body(%arg0: i32, %arg1: memref<1000x128xf32, #tpu.memory_space<vmem>>, %arg2: memref<128x128xf32, #tpu.memory_space<vmem>>, %arg3: memref<1000x1xf32, #tpu.memory_space<vmem>>, %arg4: memref<1000x128xf32, #tpu.memory_space<vmem>>) attributes {dimension_semantics = [#tpu.dimension_semantics<arbitrary>], iteration_bounds = array<i64: 10>, scalar_prefetch = 0 : i64, scratch_operands = 0 : i64, tpu.core_type = #tpu.core_type<tc>, window_params = [{transform_indices = @transform_0, window_bounds = array<i64: 1000, 128>}, {pipeline_mode = #tpu.pipeline_mode<synchronous>, transform_indices = @transform_1, window_bounds = array<i64: 128, 128>}, {transform_indices = @transform_2, window_bounds = array<i64: 1000, 1>}, {transform_indices = @transform_3, window_bounds = array<i64: 1000, 128>}]} {
    %get3A = arith.constant 0 : index
    %get3A_0 = arith.constant 0 : index
    %get3A_1 = vector.load %arg1[%get3A, %get3A_0] : memref<1000x128xf32, #tpu.memory_space<vmem>>, vector<1000x128xf32>
    %get3A_2 = arith.constant 0 : index
    %get3A_3 = arith.constant 0 : index
    %get3A_4 = vector.load %arg2[%get3A_2, %get3A_3] : memref<128x128xf32, #tpu.memory_space<vmem>>, vector<128x128xf32>
    %dot_general3A = arith.constant dense<0.000000e+00> : vector<1000x128xf32>
    %dot_general3A_5 = tpu.matmul %get3A_1, %get3A_4, %dot_general3A {dimension_numbers = #tpu.dot_dimension_numbers<[1], [0], [0], [1], [0, 0, 1, 1], [], []>, transpose_lhs_hint = false} : vector<1000x128xf32>, vector<128x128xf32>, vector<1000x128xf32> -> vector<1000x128xf32>
    %get3A_6 = arith.constant 0 : index
    %get3A_7 = arith.constant 0 : index
    %get3A_8 = vector.load %arg3[%get3A_6, %get3A_7] : memref<1000x1xf32, #tpu.memory_space<vmem>>, vector<1000x1xf32>
    %mul3A = vector.broadcast %get3A_8 : vector<1000x1xf32> to vector<1000x128xf32>
    %mul3A_9 = arith.mulf %dot_general3A_5, %mul3A : vector<1000x128xf32>
    %swap3A = arith.constant 0 : index
    %swap3A_10 = arith.constant 0 : index
    %swap3A_11 = vector.load %arg4[%swap3A, %swap3A_10] : memref<1000x128xf32, #tpu.memory_space<vmem>>, vector<1000x128xf32>
    tpu.vector_store %arg4[%swap3A, %swap3A_10], %mul3A_9 {strides = array<i32>} : memref<1000x128xf32, #tpu.memory_space<vmem>>, vector<1000x128xf32>,
    return
  }
  func.func @transform_0(%arg0: i32) -> (i32, i32) {
    %c0_i32 = arith.constant 0 : i32
    %c0_i32_0 = arith.constant 0 : i32
    return %arg0, %c0_i32 : i32, i32
  }
  func.func @transform_1(%arg0: i32) -> (i32, i32) {
    %c0_i32 = arith.constant 0 : i32
    %c0_i32_0 = arith.constant 0 : i32
    %c0_i32_1 = arith.constant 0 : i32
    return %c0_i32, %c0_i32_0 : i32, i32
  }
  func.func @transform_2(%arg0: i32) -> (i32, i32) {
    %c0_i32 = arith.constant 0 : i32
    %c0_i32_0 = arith.constant 0 : i32
    return %arg0, %c0_i32 : i32, i32
  }
  func.func @transform_3(%arg0: i32) -> (i32, i32) {
    %c0_i32 = arith.constant 0 : i32
    %c0_i32_0 = arith.constant 0 : i32
    return %arg0, %c0_i32 : i32, i32
  }
}

module attributes {stable_mosaic.version = 14 : i64} {
  func.func @_fin_body(%arg0: i32, %arg1: memref<1x1000x128xf32, #tpu.memory_space<vmem>>, %arg2: memref<1000x128xf32, #tpu.memory_space<vmem>>, %arg3: memref<1000x1xf32, #tpu.memory_space<vmem>>, %arg4: memref<1x128xf32, #tpu.memory_space<vmem>>, %arg5: memref<1000x128xf32, #tpu.memory_space<vmem>>) attributes {dimension_semantics = [#tpu.dimension_semantics<arbitrary>], iteration_bounds = array<i64: 10>, scalar_prefetch = 0 : i64, scratch_operands = 0 : i64, tpu.core_type = #tpu.core_type<tc>, window_params = [{transform_indices = @transform_0, window_bounds = array<i64: 1, 1000, 128>}, {transform_indices = @transform_1, window_bounds = array<i64: 1000, 128>}, {transform_indices = @transform_2, window_bounds = array<i64: 1000, 1>}, {pipeline_mode = #tpu.pipeline_mode<synchronous>, transform_indices = @transform_3, window_bounds = array<i64: 1, 128>}, {transform_indices = @transform_4, window_bounds = array<i64: 1000, 128>}]} {
    %get3A = arith.constant 0 : index
    %get3A_0 = arith.constant 0 : index
    %get3A_1 = vector.load %arg3[%get3A, %get3A_0] : memref<1000x1xf32, #tpu.memory_space<vmem>>, vector<1000x1xf32>
    %get3A_2 = arith.constant 0 : index
    %get3A_3 = arith.constant 0 : index
    %get3A_4 = arith.constant 0 : index
    %get3A_5 = vector.load %arg1[%get3A_2, %get3A_3, %get3A_4] : memref<1x1000x128xf32, #tpu.memory_space<vmem>>, vector<1x1000x128xf32>
    %get3A_6 = vector.shape_cast %get3A_5 : vector<1x1000x128xf32> to vector<1000x128xf32>
    %get3A_7 = arith.constant 0 : index
    %get3A_8 = arith.constant 0 : index
    %get3A_9 = vector.load %arg2[%get3A_7, %get3A_8] : memref<1000x128xf32, #tpu.memory_space<vmem>>, vector<1000x128xf32>
    %add3A = arith.addf %get3A_6, %get3A_9 : vector<1000x128xf32>
    %mul3A = vector.broadcast %get3A_1 : vector<1000x1xf32> to vector<1000x128xf32>
    %mul3A_10 = arith.mulf %mul3A, %add3A : vector<1000x128xf32>
    %get3A_11 = arith.constant 0 : index
    %get3A_12 = arith.constant 0 : index
    %get3A_13 = vector.load %arg4[%get3A_11, %get3A_12] : memref<1x128xf32, #tpu.memory_space<vmem>>, vector<1x128xf32>
    %add3A_14 = vector.broadcast %get3A_13 : vector<1x128xf32> to vector<1000x128xf32>
    %add3A_15 = arith.addf %mul3A_10, %add3A_14 : vector<1000x128xf32>
    %swap3A = arith.constant 0 : index
    %swap3A_16 = arith.constant 0 : index
    %swap3A_17 = vector.load %arg5[%swap3A, %swap3A_16] : memref<1000x128xf32, #tpu.memory_space<vmem>>, vector<1000x128xf32>
    tpu.vector_store %arg5[%swap3A, %swap3A_16], %add3A_15 {strides = array<i32>} : memref<1000x128xf32, #tpu.memory_space<vmem>>, vector<1000x128xf32>,
    return
  }
  func.func @transform_0(%arg0: i32) -> (i32, i32, i32) {
    %jit3A = arith.constant 5 : i32
    %div3A = arith.divsi %arg0, %jit3A : i32
    %sign3A = arith.constant 0 : i32
    %sign3A_0 = arith.cmpi sgt, %arg0, %sign3A : i32
    %sign3A_1 = arith.extui %sign3A_0 : i1 to i32
    %sign3A_2 = arith.constant 0 : i32
    %sign3A_3 = arith.cmpi slt, %arg0, %sign3A_2 : i32
    %sign3A_4 = arith.extui %sign3A_3 : i1 to i32
    %sign3A_5 = arith.subi %sign3A_1, %sign3A_4 : i32
    %sign3A_6 = arith.constant 0 : i32
    %sign3A_7 = arith.cmpi sgt, %jit3A, %sign3A_6 : i32
    %sign3A_8 = arith.extui %sign3A_7 : i1 to i32
    %sign3A_9 = arith.constant 0 : i32
    %sign3A_10 = arith.cmpi slt, %jit3A, %sign3A_9 : i32
    %sign3A_11 = arith.extui %sign3A_10 : i1 to i32
    %sign3A_12 = arith.subi %sign3A_8, %sign3A_11 : i32
    %ne3A = arith.cmpi ne, %sign3A_5, %sign3A_12 : i32
    %rem3A = arith.remsi %arg0, %jit3A : i32
    %ne3A_13 = arith.constant 0 : i32
    %ne3A_14 = arith.cmpi ne, %rem3A, %ne3A_13 : i32
    %and3A = arith.andi %ne3A, %ne3A_14 : i1
    %sub3A = arith.constant 1 : i32
    %sub3A_15 = arith.subi %div3A, %sub3A : i32
    %select_n3A = arith.select %and3A, %sub3A_15, %div3A : i32
    %jit3A_16 = arith.constant 5 : i32
    %eq3A = arith.constant 0 : i32
    %eq3A_17 = arith.cmpi eq, %jit3A_16, %eq3A : i32
    %jit3A_18 = arith.constant 1 : i32
    %select_n3A_19 = arith.select %eq3A_17, %jit3A_18, %jit3A_16 : i32
    %rem3A_20 = arith.remsi %arg0, %select_n3A_19 : i32
    %ne3A_21 = arith.constant 0 : i32
    %ne3A_22 = arith.cmpi ne, %rem3A_20, %ne3A_21 : i32
    %lt3A = arith.constant 0 : i32
    %lt3A_23 = arith.cmpi slt, %rem3A_20, %lt3A : i32
    %lt3A_24 = arith.constant 0 : i32
    %lt3A_25 = arith.cmpi slt, %select_n3A_19, %lt3A_24 : i32
    %ne3A_26 = arith.xori %lt3A_23, %lt3A_25 : i1
    %and3A_27 = arith.andi %ne3A_26, %ne3A_22 : i1
    %add3A = arith.addi %rem3A_20, %select_n3A_19 : i32
    %select_n3A_28 = arith.select %and3A_27, %add3A, %rem3A_20 : i32
    %c0_i32 = arith.constant 0 : i32
    %c0_i32_29 = arith.constant 0 : i32
    return %select_n3A, %select_n3A_28, %c0_i32 : i32, i32, i32
  }
  func.func @transform_1(%arg0: i32) -> (i32, i32) {
    %c0_i32 = arith.constant 0 : i32
    %c0_i32_0 = arith.constant 0 : i32
    return %arg0, %c0_i32 : i32, i32
  }
  func.func @transform_2(%arg0: i32) -> (i32, i32) {
    %c0_i32 = arith.constant 0 : i32
    %c0_i32_0 = arith.constant 0 : i32
    return %arg0, %c0_i32 : i32, i32
  }
  func.func @transform_3(%arg0: i32) -> (i32, i32) {
    %c0_i32 = arith.constant 0 : i32
    %c0_i32_0 = arith.constant 0 : i32
    %c0_i32_1 = arith.constant 0 : i32
    return %c0_i32, %c0_i32_0 : i32, i32
  }
  func.func @transform_4(%arg0: i32) -> (i32, i32) {
    %c0_i32 = arith.constant 0 : i32
    %c0_i32_0 = arith.constant 0 : i32
    return %arg0, %c0_i32 : i32, i32
  }
}

</mosaic_0001>

<sc_bundles>
// kernel: kernel.10.cloned.1.call-start
scs
__scs_entry_jumppad:
0x0: {  	(pc) =	sbr.rel $0x88, $3  }
0x1: {  	(tag) =	ssettag $0x0;
	lr =	simm.s32 $0x1  }
0x2: {  	[smem:$0x3F9D] =	sst lr;
	_ =	strace $0xD0000000  }
0x3: {  	_ = 	snop  }
0x4: {  	_ = 	snop  }
0x5: {  	_ = 	snop  }
0x6: {  	_ = 	snop  }
0x7: {  	_ = 	snop  }
__scs_overlays_trampoline_lowered:
0x8: {  	[smem:$0x3FAC] =	sst s0  }
0x9: {  	[smem:$0x3FAD] =	sst s1  }
0xa: {  	[smem:$0x3FAE] =	sst s2  }
0xb: {  	[smem:$0x3FAF] =	sst s3  }
0xc: {  	[smem:$0x3FB0] =	sst s4  }
0xd: {  	[smem:$0x3FB1] =	sst s5  }
0xe: {  	[smem:$0x3FB2] =	sst s6  }
0xf: {  	[smem:$0x3FB3] =	sst s7  }
0x10: {  	[smem:$0x3FB4] =	sst s8  }
0x11: {  	[smem:$0x3FB5] =	sst s9;
	s0 =	simm.s32 @!p0 $0x0  }
0x12: {  	s1 =	sld [smem:$0x3F9B];
	s0 =	simm.s32 @p0 $0x1  }
0x13: {  	[smem:$0x3FB6] =	sst s0;
	s0 =	simm.s32 @!p1 $0x0  }
0x14: {  	s2 =	sld [smem:$0x3F9A];
	s0 =	simm.s32 @p1 $0x1  }
0x15: {  	[smem:$0x3FB7] =	sst s0;
	s0 =	simm.s32 @!p2 $0x0  }
0x16: {  	s3 =	sld [smem:$0x3FDB];
	s0 =	simm.s32 @p2 $0x1  }
0x17: {  	s4 =	simm.s32 $0x1BF5;
	[smem:$0x3FB9] =	sst s0  }
0x18: {  	s0 =	sld [smem:$0x3F9C];
	_ =	swait.ge [sflag:s4], $0x0  }
0x19: {  	s7 =	sld [smem:$0x3F9D]  }
0x1a: {  	s8 =	sadd.s32 $0xFFFFE003, lr  }
0x1b: {  	s9 =	sadd.s32 $0xFFFFFEF7, lr;
	s5 =	simm.s32 $0xFFFFFFFF;
	p2 =	slt.u32 s8, $0xFFFFF086  }
0x1c: {  	p1 =	slt.u32 s9, $0xF7A;
	s5 =	simm.s32 @!p2 $0x0  }
0x1d: {  	s5 =	simm.s32 @p1 $0x1;
	p0 =	seq.s32 s7, s2  }
0x1e: {  	s7 =	smul.u32 @!p0 $0xF7A, s2;
	p2 =	seq.s32 @!p0 s5, $0x0  }
0x1f: {  	s9 =	smul.u32 $0xF7A, s1;
	s8 =	simm.s32 @!p0 $0x1BF5;
	p2 =	por !p2, p0  }
0x20: {  	[sflag:s8] =	ssyncset.s32 @!p0 $0xFFFFF086;
	s6 =	sadd.s32 @!p0 s3, s7;
	s7 =	simm.s32 @!p0 $0x108  }
0x21: {  	s3 =	sadd.s32 s3, s9;
	s6 =	sadd.s32 @!p0 $0x88, s6;
	s7 =	simm.s32 @p2 $0x1082  }
0x22: {  	[simem:s7], [sflag:s8] =	dma.local @!p0 [hbm:s6], $0xF7A  }
0x23: {  	s9 =	sor.u32 $0xD0000000, s2;
	s6 =	simm.s32 $0x108;
	_ =	swait.ge @!p0 [sflag:s8], $0x0  }
0x24: {  	s3 =	sadd.s32 $0x88, s3;
	s6 =	simm.s32 @!p1 $0x1082;
	[sflag:s4] =	ssyncset.s32 $0xFFFFF086  }
0x25: {  	[simem:s6], [sflag:s4] =	dma.local [hbm:s3], $0xF7A  }
0x26: {  	[smem:$0x3F9D] =	sst s1;
	(tag) =	ssettag s2;
	_ =	strace s9  }
0x27: {  	s1 =	sld [smem:$0x3FAD]  }
0x28: {  	s2 =	sld [smem:$0x3FAE]  }
0x29: {  	s4 =	sld [smem:$0x3FB0]  }
0x2a: {  	p0 =	seq.s32 s5, $0x0;
	s5 =	sld [smem:$0x3FB1]  }
0x2b: {  	s6 =	sld [smem:$0x3FB2]  }
0x2c: {  	s7 =	sld [smem:$0x3FB3]  }
0x2d: {  	s3 =	simm.s32 $0x108;
	s8 =	sld [smem:$0x3FB4]  }
0x2e: {  	s3 =	simm.s32 @!p0 $0x1082;
	s9 =	sld [smem:$0x3FB5]  }
0x2f: {  	lr =	sadd.s32 s0, s3;
	s0 =	sld [smem:$0x3FAC]  }
0x30: {  	s3 =	sld [smem:$0x3FAF]  }
0x31: {  	[smem:$0x3FB8] =	sst s10  }
0x32: {  	s10 =	sld [smem:$0x3FB6];
	_ =	sdelay $0x3  }
0x33: {  	p0 =	seq.s32 s10, $0x1;
	s10 =	sld [smem:$0x3FB8];
	_ =	sdelay $0x3  }
0x34: {  	[smem:$0x3FB8] =	sst s10  }
0x35: {  	s10 =	sld [smem:$0x3FB7];
	_ =	sdelay $0x3  }
0x36: {  	p1 =	seq.s32 s10, $0x1;
	s10 =	sld [smem:$0x3FB8];
	_ =	sdelay $0x3  }
0x37: {  	[smem:$0x3FB8] =	sst s10  }
0x38: {  	s10 =	sld [smem:$0x3FB9]  }
0x39: {  	_ = 	snop;
	(pc) =	sbr.ind lr, $3  }
0x3a: {  	_ = 	snop  }
0x3b: {  	_ = 	snop  }
0x3c: {  	p2 =	seq.s32 s10, $0x1;
	s10 =	sld [smem:$0x3FB8]  }
0x3d: {  	_ =	shalt  }
0x3e: {  	_ =	shalt  }
0x3f: {  	_ =	shalt  }
0x40: {  	_ =	shalt  }
0x41: {  	_ =	shalt  }
0x42: {  	_ =	shalt  }
0x43: {  	_ =	shalt  }
0x44: {  	_ =	shalt  }
0x45: {  	_ =	shalt  }
0x46: {  	_ =	shalt  }
0x47: {  	_ =	shalt  }
0x48: {  	_ =	shalt  }
0x49: {  	_ =	shalt  }
0x4a: {  	_ =	shalt  }
0x4b: {  	_ =	shalt  }
0x4c: {  	_ =	shalt  }
0x4d: {  	_ =	shalt  }
0x4e: {  	_ =	shalt  }
0x4f: {  	_ =	shalt  }
0x50: {  	_ =	shalt  }
0x51: {  	_ =	shalt  }
0x52: {  	_ =	shalt  }
0x53: {  	_ =	shalt  }
0x54: {  	_ =	shalt  }
0x55: {  	_ =	shalt  }
0x56: {  	_ =	shalt  }
0x57: {  	_ =	shalt  }
0x58: {  	_ =	shalt  }
0x59: {  	_ =	shalt  }
0x5a: {  	_ =	shalt  }
0x5b: {  	_ =	shalt  }
0x5c: {  	_ =	shalt  }
0x5d: {  	_ =	shalt  }
0x5e: {  	_ =	shalt  }
0x5f: {  	_ =	shalt  }
0x60: {  	_ =	shalt  }
0x61: {  	_ =	shalt  }
0x62: {  	_ =	shalt  }
0x63: {  	_ =	shalt  }
0x64: {  	_ =	shalt  }
0x65: {  	_ =	shalt  }
0x66: {  	_ =	shalt  }
0x67: {  	_ =	shalt  }
0x68: {  	_ =	shalt  }
0x69: {  	_ =	shalt  }
0x6a: {  	_ =	shalt  }
0x6b: {  	_ =	shalt  }
0x6c: {  	_ =	shalt  }
0x6d: {  	_ =	shalt  }
0x6e: {  	_ =	shalt  }
0x6f: {  	_ =	shalt  }
0x70: {  	_ =	shalt  }
0x71: {  	_ =	shalt  }
0x72: {  	_ =	shalt  }
0x73: {  	_ =	shalt  }
0x74: {  	_ =	shalt  }
0x75: {  	_ =	shalt  }
0x76: {  	_ =	shalt  }
0x77: {  	_ =	shalt  }
0x78: {  	_ =	shalt  }
0x79: {  	_ =	shalt  }
0x7a: {  	_ =	shalt  }
0x7b: {  	_ =	shalt  }
0x7c: {  	_ =	shalt  }
0x7d: {  	_ =	shalt  }
0x7e: {  	_ =	shalt  }
0x7f: {  	_ =	shalt  }
0x80: {  	_ =	shalt  }
0x81: {  	_ =	shalt  }
0x82: {  	_ =	shalt  }
0x83: {  	_ =	shalt  }
0x84: {  	_ =	shalt  }
0x85: {  	_ =	shalt  }
0x86: {  	_ =	shalt  }
0x87: {  	_ =	shalt  }
.Lfunc_end0:
.L_simem_size_0:
called_computation.1_lowered:
.L_overlay_start_0:
0x88: {  	s2 =	sld [smem:$0x3FD9]  }
0x89: {  	s3 =	sld [smem:$0x3FFE];
	_ =	sdelay $0x1  }
0x8a: {  	s1 =	srdreg.scid  }
0x8b: {  	s0 =	sand.u32 $0x1, s1  }
0x8c: {  	s17 =	sshll.u32 s0, $0xA;
	s2 =	sadd.s32 s3, s2  }
0x8d: {  	s2 =	sadd.s32 s2, s17  }
0x8e: {  	[smem:$0x3FC4] =	sst s2  }
0x8f: {  	_ = 	snop  }
0x90: {  	s2 =	sld [smem:$0x3FD0];
	(tm) =	ssettm $0x1  }
0x91: {  	s18 =	sld [smem:$0x3FFB];
	_ =	sdelay $0x3  }
0x92: {  	_ =	strace s18  }
0x93: {  	s3 =	sld [smem:$0x3FFC];
	_ =	sdelay $0x3  }
0x94: {  	_ =	strace s3  }
0x95: {  	s3 =	sld [smem:$0x3FFD];
	_ =	sdelay $0x3  }
0x96: {  	_ =	strace s3  }
0x97: {  	_ =	strace $0x8FFFFFFF  }
0x98: {  	s19 =	sld [smem:$0x3FDB];
	_ =	sdelay $0x1  }
0x99: {  	s4 =	simm.s32 $_scs_section_size  }
0x9a: {  	s5 =	simm.s32 $_size__tile_overlayer_lowered;
	s6 =	simm.s32 $_tile_overlayer_lowered  }
0x9b: {  	s22 =	simm.s32 $0x1BFF;
	s21 =	sshll.u32 s6, $0x1;
	s3 =	sadd.s32 s4, s19  }
0x9c: {  	s7 =	simm.s32 $0x0;
	s20 =	sshll.u32 s5, $0x1;
	s5 =	sadd.s32 s21, s3  }
0x9d: {  	[timem:s7], [sflag:s22] =	dma.local [hbm:s5], s20  }
0x9e: {  	_ =	swait.ge [sflag:s22], s20  }
0x9f: {  	s4 =	ssub.s32 $0x0, s20;
	[sflag:s22] =	ssyncset.done $0x0  }
0xa0: {  	[sflag:s22] =	ssyncadd.s32 s4;
	_ =	sdelay $0x1  }
0xa1: {  	s23 =	simm.s32 $0x1B8B  }
0xa2: {  	_ =	swait.ge [sflag:s23], $0x1  }
0xa3: {  	[sflag:s23] =	ssyncset.done $0x0  }
0xa4: {  	s25 =	simm.s32 $0x1B8E;
	s24 =	sld [smem:$0x3FFE];
	[sflag:s23] =	ssyncadd.s32 $0xFFFFFFFF  }
0xa5: {  	s26 =	simm.s32 $execute0_lowered;
	[smem:$0x3FD2] =	sst s25  }
0xa6: {  	s5 =	sshll.u32 s26, $0x1;
	_ =	strace $0x80000049;
	[dreg:$0x1] =	wrdreg $0xFFFFFFFF  }
0xa7: {  	s28 =	simm.s32 $_size_execute0_lowered;
	s3 =	sadd.s32 s3, s5;
	[dreg:$0x0] =	wrdreg $0x0  }
0xa8: {  	s5 =	sshll.u32 s28, $0x1;
	[dreg:$0x2] =	wrdreg s3  }
0xa9: {  	[dreg:$0x3] =	wrdreg s5  }
0xaa: {  	[dreg:$0x4] =	wrdreg $0xC0  }
0xab: {  	_ =	task [dreg:s7], $0x5FFFF  }
0xac: {  	[dreg:$0x1] =	wrdreg $0xFFFFFFFF  }
0xad: {  	[dreg:$0x0] =	wrdreg $0x60  }
0xae: {  	[dreg:$0x2] =	wrdreg s2  }
0xaf: {  	[dreg:$0x3] =	wrdreg s24  }
0xb0: {  	[dreg:$0x4] =	wrdreg $0x9F800  }
0xb1: {  	[dreg:$0x5] =	wrdreg $0x9  }
0xb2: {  	_ =	task.clear_ibuf [dreg:s7], $0x6FFFF;
	_ =	strace $0x90000049  }
0xb3: {  	s29 =	simm.s32 $0x9;
	_ =	strace $0x8000004B  }
0xb4: {  	_ =	swait.ge [sflag:s29], $0x1  }
0xb5: {  	[sflag:s29] =	ssyncadd.s32 $0xFFFFFFFF  }
0xb6: {  	_ =	strace $0x9000004B  }
0xb7: {  	_ =	sfence  }
0xb8: {  	s30 =	sld [smem:$0x0];
	_ =	sdelay $0x2  }
0xb9: {  	s31 =	sshll.u32 s1, $0xD;
	s1 =	sshrl.u32 s1, $0x2  }
0xba: {  	s3 =	sand.u32 $0x4000, s31;
	s1 =	sadd.s32 s1, s30  }
0xbb: {  	s0 =	sor.u32 s3, s0;
	s1 =	sshll.u32 s1, $0x11  }
0xbc: {  	s0 =	sor.u32 s1, s0  }
0xbd: {  	s0 =	sadd.s32 $0x8F2B, s0  }
0xbe: {  	[sflag:s0] =	ssyncadd.remote.s32 $0x1  }
0xbf: {  	_ =	sfence.sel $0xFFFF  }
0xc0: {  	[dreg:$0x0] =	wrdreg $0xFFFFFFFF;
	(pc) =	sbr.abs _section_cstart, $3  }
0xc1: {  	[dreg:$0x1] =	wrdreg $0xFFFFFFFF  }
0xc2: {  	_ =	task.clear_ibuf [dreg:s7], $0x2FFFF;
	_ =	strace $0x9FFFFFFF  }
0xc3: {  	(tm) =	ssettm $0x7FFFFFFF  }
tec
execute0_lowered:
.L_overlay_start_1:
0x0: {  	(tag) =	ssettag $0x1  }
0x1: {  	s1 =	rddreg [dreg:$0x0]  }
0x2: {  	s0 =	rddreg [dreg:$0x1]  }
0x3: {  	s2 =	rddreg [dreg:$0x2];
	s3 =	simm.s32 $0x0  }
0x4: {  	s4 =	srdreg.scid;
	s18 =	stileid.u32;
	s28 =	simm.s32 $0x2  }
0x5: {  	s29 =	simm.s32 $0x0;
	[smem:$0x7FF] =	sst s3;
	s6 =	sadd.s32 $0x16000, s0  }
0x6: {  	s4 =	sand.u32 $0x1, s4;
	s8 =	sadd.s32 $0x29C00, s0;
	s11 =	smul.u32 $0x28000, s18  }
0x7: {  	s9 =	sadd.s32 $0x3D800, s0;
	s5 =	sadd.s32 $0x1E00, s0;
	s14 =	smul.u32 $0xA000, s18  }
0x8: {  	s0 =	sadd.s32 $0x3DC00, s0;
	s21 =	sshll.u32 s18, $0x6;
	s22 =	smul.u32 $0x9E00, s18  }
0x9: {  	s13 =	sshll.u32 s18, $0x8;
	s23 =	sshllo.u32 s18, $0x1;
	_ =	strace $0x8000004A  }
0xa: {  	s7 =	ssub.s32 $0x2, s4;
	s12 =	sshll.u32 s4, $0x7;
	s16 =	sshll.u32 s4, $0xC  }
0xb: {  	s17 =	sand.u32 $0xC00, s13;
	s13 =	sand.u32 $0x300, s13;
	s18 =	smul.u32 $0x4F00, s23  }
0xc: {  	s4 =	smul.u32 $0xA0000, s4;
	s10 =	sshrl.u32 s7, $0x1;
	s20 =	sshrl.u32 s11, $0x2  }
0xd: {  	s15 =	sadd.s32 $0x5000, s14;
	s11 =	sor.u32 s12, s22;
	s16 =	sor.u32 s16, s17  }
0xe: {  	s17 =	sshll.u32 s23, $0x7;
	s22 =	simm.s32 $0x4F00;
	s23 =	simm.s32 $0x50  }
0xf: {  	s10 =	ssub.s32 s7, s10;
	s7 =	sadd.s32 s20, s2;
	s11 =	sshrl.u32 s11, $0x3  }
0x10: {  	s13 =	sor.u32 s13, s16;
	s19 =	sadd.s32 s15, s2;
	s26 =	sor.u32 s12, s18  }
0x11: {  	s30 =	sand.u32 $0x380, s17;
	s31 =	sadd.s32 s14, s4;
	s4 =	sadd.s32 s4, s15  }
0x12: {  	s18 =	simm.s32 $0x3;
	s20 =	simm.s32 $0x100;
	[dreg:$0x4] =	wrdreg s7  }
0x13: {  	s7 =	sor.u32 $0x1C03, s21;
	[dreg:$0x5] =	wrdreg s19;
	s24 =	sadd.s32 s6, s11  }
0x14: {  	s13 =	sshrl.u32 s13, $0x3;
	s11 =	sadd.s32 s8, s11;
	s4 =	sshrl.u32 s4, $0x3  }
0x15: {  	s17 =	smax.u32 s10, $0x1;
	s19 =	simm.s32 $0x80;
	[dreg:$0x6] =	wrdreg s24  }
0x16: {  	s21 =	simm.s32 $0x2780;
	[dreg:$0x7] =	wrdreg s11;
	s25 =	sadd.s32 s9, s13  }
.Ltmp0:
0x17: {  	s11 =	sshrl.u32 s26, $0x3;
	s24 =	simm.s32 $0x4F80;
	(pc) =	sbr.rel .LBB2_1-.Ltmp0, $4  }
0x18: {  	s26 =	simm.s32 $0x1;
	[dreg:$0x8] =	wrdreg s25;
	s6 =	sadd.s32 s6, s11  }
0x19: {  	s13 =	sadd.s32 s8, s11;
	[dreg:$0x9] =	wrdreg s6;
	s6 =	sor.u32 s16, s30  }
0x1a: {  	s8 =	sshrl.u32 s31, $0x3;
	s25 =	simm.s32 $0x7780;
	s6 =	sshrl.u32 s6, $0x3  }
0x1b: {  	s15 =	sadd.s32 s0, s8;
	s16 =	sadd.s32 s0, s4;
	s14 =	sadd.s32 s9, s6  }
.LBB2_13:
0x1c: {  	s10 =	simm.s32 $0x2780  }
.LBB2_17:
0x1d: {  	s11 =	sadd.s32 $0xFFFFFFB0, s9;
	[sflag:s18] =	ssyncadd.s32 @p0 $0xFFFFD800  }
0x1e: {  	[tilespmem:s25], [sflag:$0x2] =	stream.indirect.gather [hbm4b:s1+s23], $0x80, s11, s23, $0xb8;
	[tilespmem:$0x13F80] =	vst v63  }
0x1f: {  	_ =	swait.ge [sflag:s26], $0x2800  }
0x20: {  	s10 =	sadd.s32 @p0 $0xA0, s10;
	[sflag:s26] =	ssyncset.done $0x0  }
0x21: {  	s8 =	smov.u32 @p0 s10;
	[sflag:s26] =	ssyncadd.s32 $0xFFFFD800  }
0x22: {  	[spmem:s2] =	stream.indirect.scatter.add.f32 [tilespmem:s24], [sflag:$0x3], $0x80, s8, s23, $0xb8;
	[tilespmem:$0x13F80] =	vst v63  }
0x23: {  	_ =	swait.ge [sflag:s18], $0x2800  }
0x24: {  	[sflag:s18] =	ssyncset.done $0x0  }
0x25: {  	[sflag:s18] =	ssyncadd.s32 $0xFFFFD800  }
0x26: {  	[tilespmem:s24], [sflag:$0x1] =	stream.indirect.gather [hbm4b:s1+s23], $0x80, s9, s23, $0xb8;
	[tilespmem:$0x13F80] =	vst v63  }
0x27: {  	_ =	swait.ge [sflag:s28], $0x2800  }
0x28: {  	[sflag:s28] =	ssyncset.done $0x0  }
0x29: {  	s8 =	sadd.s32 $0x50, s8;
	[sflag:s28] =	ssyncadd.s32 $0xFFFFD800  }
0x2a: {  	[spmem:s2] =	stream.indirect.scatter.add.f32 [tilespmem:s25], [sflag:$0x3], $0x80, s8, s23, $0xb8;
	[tilespmem:$0x13F80] =	vst v63  }
0x2b: {  	_ =	swait.ge [sflag:s18], $0x2800  }
0x2c: {  	[sflag:s18] =	ssyncset.done $0x0  }
0x2d: {  	[sflag:s18] =	ssyncadd.s32 $0xFFFFD800  }
.LBB2_18:
0x2e: {  	s8 =	sand.u32 $0xFFFFFFFE, s4  }
0x2f: {  	s6 =	ssub.s32 s6, s8  }
0x30: {  	p0 =	sne.s32 s6, $0x2  }
0x31: {  	s6 =	simm.s32 @p0 $0x1  }
0x32: {  	s8 =	smul.u32 @p0 $0x280, s0;
	_ =	swait.ge @p0 [sflag:s6], $0x2800  }
0x33: {  	s9 =	simm.s32 @p0 $0x4F80;
	[sflag:s6] =	ssyncset.done @p0 $0x0  }
0x34: {  	s4 =	smul.u32 @!p0 $0x50, s4;
	[sflag:s6] =	ssyncadd.s32 @p0 $0xFFFFD800;
	s6 =	sshra.s32 @p0 s8, $0x2  }
0x35: {  	s0 =	smul.u32 @!p0 $0x280, s0;
	s8 =	simm.s32 @p0 $0x50;
	s6 =	sadd.s32 @p0 $0x2780, s6  }
0x36: {  	[spmem:s2] =	stream.indirect.scatter.add.f32 @p0 [tilespmem:s9], [sflag:$0x3], $0x80, s6, s8, $0xb8;
	[tilespmem:$0x13F80] =	vst v63  }
0x37: {  	s6 =	simm.s32 @!p0 $0x50;
	s8 =	simm.s32 @!p0 $0x7780;
	s9 =	simm.s32 @!p0 $0x1  }
0x38: {  	[tilespmem:s8], [sflag:$0x2] =	stream.indirect.gather @!p0 [hbm4b:s1+s6], $0x80, s4, s6, $0xb8;
	[tilespmem:$0x13F80] =	vst v63  }
0x39: {  	_ =	swait.ge @!p0 [sflag:s9], $0x2800  }
0x3a: {  	s0 =	sshra.s32 @!p0 s0, $0x2;
	[sflag:s9] =	ssyncset.done @!p0 $0x0  }
0x3b: {  	s0 =	sadd.s32 @!p0 $0x2780, s0;
	[sflag:s9] =	ssyncadd.s32 @!p0 $0xFFFFD800;
	s9 =	simm.s32 @!p0 $0x4F80  }
0x3c: {  	[spmem:s2] =	stream.indirect.scatter.add.f32 @!p0 [tilespmem:s9], [sflag:$0x3], $0x80, s0, s6, $0xb8;
	[tilespmem:$0x13F80] =	vst v63  }
0x3d: {  	s0 =	simm.s32 @!p0 $0x3  }
0x3e: {  	_ =	swait.ge @!p0 [sflag:s0], $0x2800  }
0x3f: {  	[sflag:s0] =	ssyncset.done @!p0 $0x0  }
0x40: {  	[sflag:s0] =	ssyncadd.s32 @!p0 $0xFFFFD800;
	s0 =	simm.s32 @!p0 $0x2  }
0x41: {  	_ =	swait.ge @!p0 [sflag:s0], $0x2800  }
0x42: {  	[sflag:s0] =	ssyncset.done @!p0 $0x0  }
0x43: {  	[sflag:s0] =	ssyncadd.s32 @!p0 $0xFFFFD800;
	s0 =	sadd.s32 @!p0 $0x2780, s4  }
0x44: {  	[spmem:s2] =	stream.indirect.scatter.add.f32 @!p0 [tilespmem:s8], [sflag:$0x3], $0x80, s0, s6, $0xb8;
	[tilespmem:$0x13F80] =	vst v63  }
0x45: {  	_ =	swait.ge [sflag:s18], $0x2800  }
0x46: {  	[sflag:s18] =	ssyncset.done $0x0  }
0x47: {  	[sflag:s18] =	ssyncadd.s32 $0xFFFFD800  }
.LBB2_19:
0x48: {  	[bflag:$0x0] =	sbarrier.arrive $0xFFFF  }
0x49: {  	[hbm:s15], [sflag:s7] =	dma.local [spmem:s30], $0xA00  }
0x4a: {  	s29 =	sadd.s32 $0x1, s29;
	_ =	swait.ge [sflag:s18], $0xA00  }
0x4b: {  	p0 =	sne.s32 s29, s17;
	[sflag:s18] =	ssyncset.done $0x0  }
.Ltmp1:
0x4c: {  	[sflag:s18] =	ssyncadd.s32 $0xFFFFF600;
	(pc) =	sbr.rel @!p0 .LBB2_20-.Ltmp1, $4  }
0x4d: {  	[hbm:s16], [sflag:s7] =	dma.local [spmem:s31], $0xA00  }
0x4e: {  	_ =	swait.ge [sflag:s18], $0xA00  }
0x4f: {  	[sflag:s18] =	ssyncset.done $0x0  }
0x50: {  	[sflag:s18] =	ssyncadd.s32 $0xFFFFF600  }
.LBB2_1:
0x51: {  	s0 =	rddreg [dreg:$0x4]  }
0x52: {  	s30 =	sshrl.u32 s0, $0x3  }
0x53: {  	[spmem:s30], [sflag:s7] =	dma.local [hbm:s5], $0xA00  }
0x54: {  	_ =	swait.ge [sflag:s18], $0xA00  }
0x55: {  	[sflag:s18] =	ssyncset.done $0x0;
	s9 =	rddreg [dreg:$0x5]  }
0x56: {  	[sflag:s18] =	ssyncadd.s32 $0xFFFFF600;
	s31 =	sshrl.u32 s9, $0x3  }
0x57: {  	[spmem:s31], [sflag:s7] =	dma.local [hbm:s5], $0xA00  }
0x58: {  	_ =	swait.ge [sflag:s18], $0xA00  }
0x59: {  	[sflag:s18] =	ssyncset.done $0x0  }
0x5a: {  	[sflag:s18] =	ssyncadd.s32 $0xFFFFF600  }
0x5b: {  	[bflag:$0x0] =	sbarrier.arrive $0xFFFF  }
0x5c: {  	s10 =	rddreg [dreg:$0x6]  }
0x5d: {  	[tilespmem:s3], [sflag:$0x3] =	stream.strided.gather [hbm4b:s10+s19], $0x2780, s20, s19, $0x38;
	[tilespmem:$0x13F80] =	vst v63  }
0x5e: {  	_ =	swait.ge [sflag:s18], $0x2780  }
0x5f: {  	[sflag:s18] =	ssyncset.done $0x0  }
0x60: {  	s11 =	rddreg [dreg:$0x7];
	[sflag:s18] =	ssyncadd.s32 $0xFFFFD880  }
0x61: {  	[tilespmem:s21], [sflag:$0x3] =	stream.strided.gather [hbm4b:s11+s19], $0x2780, s20, s19, $0x38;
	[tilespmem:$0x13F80] =	vst v63  }
0x62: {  	_ =	swait.ge [sflag:s18], $0x2780  }
0x63: {  	[sflag:s18] =	ssyncset.done $0x0  }
0x64: {  	s12 =	rddreg [dreg:$0x8];
	[sflag:s18] =	ssyncadd.s32 $0xFFFFD880  }
0x65: {  	[tilespmem:s22], [sflag:$0x3] =	stream.linear.gather [hbm4b:s12+s3], $0x80, $0x38;
	[tilespmem:$0x13F80] =	vst v63  }
0x66: {  	_ =	swait.ge [sflag:s18], $0x80  }
0x67: {  	[sflag:s18] =	ssyncset.done $0x0  }
0x68: {  	[sflag:s18] =	ssyncadd.s32 $0xFFFFFF80  }
0x69: {  	v0 =	vld [tilespmem:$0x4F00];
	_ =	sdelay $0x4  }
0x6a: {  	(v2sf) =	vpush v0, $0x0;
	_ =	sdelay $0xe  }
0x6b: {  	s6 =	spop (v2sf)  }
0x6c: {  	p0 =	slt.s32 s6, $0x1  }
.Ltmp2:
0x6d: {  	_ = 	snop;
	(pc) =	sbr.rel @p0 .LBB2_10-.Ltmp2, $1  }
0x6e: {  	_ =	sdelay $0x3  }
0x6f: {  	s4 =	sadd.s32 $0xFFFFFFFF, s6  }
0x70: {  	s0 =	sshrl.u32 s4, $0x1  }
0x71: {  	p0 =	seq.s32 s0, $0x0  }
.Ltmp3:
0x72: {  	_ = 	snop;
	(pc) =	sbr.rel @p0 .LBB2_9-.Ltmp3, $2  }
0x73: {  	_ =	sdelay $0x2  }
0x74: {  	[tilespmem:s24], [sflag:$0x1] =	stream.indirect.gather [hbm4b:s1+s23], $0x80, s3, s23, $0xb8;
	[tilespmem:$0x13F80] =	vst v63  }
0x75: {  	p1 =	sne.s32 s0, $0x1  }
.Ltmp4:
0x76: {  	_ = 	snop;
	(pc) =	sbr.rel @!p1 .LBB2_4-.Ltmp4, $3  }
0x77: {  	_ =	sdelay $0x1  }
0x78: {  	s9 =	simm.s32 $0xA0  }
0x79: {  	s8 =	simm.s32 $0x2780;
	s10 =	sadd.s32 $0xFFFFFFFF, s0;
	p0 =	por $0x0, $0x0  }
0x7a: {  	s11 =	simm.s32 $0x50  }
0x7b: {  	[tilespmem:s25], [sflag:$0x2] =	stream.indirect.gather [hbm4b:s1+s23], $0x80, s11, s23, $0xb8;
	[tilespmem:$0x13F80] =	vst v63  }
0x7c: {  	_ =	swait.ge [sflag:s26], $0x2800  }
0x7d: {  	[sflag:s26] =	ssyncset.done $0x0  }
0x7e: {  	[sflag:s26] =	ssyncadd.s32 $0xFFFFD800  }
0x7f: {  	[spmem:s2] =	stream.indirect.scatter.add.f32 [tilespmem:s24], [sflag:$0x3], $0x80, s8, s23, $0xb8;
	[tilespmem:$0x13F80] =	vst v63  }
0x80: {  	_ =	swait.ge [sflag:s18], $0x2800  }
0x81: {  	[sflag:s18] =	ssyncset.done $0x0  }
0x82: {  	[sflag:s18] =	ssyncadd.s32 $0xFFFFD800  }
0x83: {  	[tilespmem:s24], [sflag:$0x1] =	stream.indirect.gather [hbm4b:s1+s23], $0x80, s9, s23, $0xb8;
	[tilespmem:$0x13F80] =	vst v63  }
0x84: {  	p1 =	sne.s32 s10, $0x1;
	_ =	swait.ge [sflag:s28], $0x2800  }
.Ltmp5:
0x85: {  	[sflag:s28] =	ssyncset.done $0x0;
	(pc) =	sbr.rel @!p1 .LBB2_6-.Ltmp5, $4  }
0x86: {  	s12 =	simm.s32 $0x27D0;
	[sflag:s28] =	ssyncadd.s32 $0xFFFFD800  }
0x87: {  	[spmem:s2] =	stream.indirect.scatter.add.f32 [tilespmem:s25], [sflag:$0x3], $0x80, s12, s23, $0xb8;
	[tilespmem:$0x13F80] =	vst v63  }
0x88: {  	p0 =	por $0x1, $0x1;
	s11 =	sadd.s32 $0xFFFFFFFF, s10;
	_ =	swait.ge [sflag:s18], $0x2800  }
0x89: {  	s10 =	simm.s32 $0x2780;
	s9 =	simm.s32 $0x140;
	[sflag:s18] =	ssyncset.done $0x0  }
.LBB2_7:
0x8a: {  	s12 =	sadd.s32 $0xFFFFFFB0, s9;
	[sflag:s18] =	ssyncadd.s32 $0xFFFFD800;
	s10 =	sadd.s32 $0xA0, s10  }
0x8b: {  	[tilespmem:s25], [sflag:$0x2] =	stream.indirect.gather [hbm4b:s1+s23], $0x80, s12, s23, $0xb8;
	[tilespmem:$0x13F80] =	vst v63  }
0x8c: {  	p1 =	sne.s32 s11, $0x1;
	s11 =	sadd.s32 $0xFFFFFFFF, s11;
	_ =	swait.ge [sflag:s26], $0x2800  }
0x8d: {  	[sflag:s26] =	ssyncset.done $0x0  }
0x8e: {  	[sflag:s26] =	ssyncadd.s32 $0xFFFFD800  }
0x8f: {  	[spmem:s2] =	stream.indirect.scatter.add.f32 [tilespmem:s24], [sflag:$0x3], $0x80, s10, s23, $0xb8;
	[tilespmem:$0x13F80] =	vst v63  }
0x90: {  	_ =	swait.ge [sflag:s18], $0x2800  }
0x91: {  	[sflag:s18] =	ssyncset.done $0x0  }
0x92: {  	[sflag:s18] =	ssyncadd.s32 $0xFFFFD800  }
0x93: {  	[tilespmem:s24], [sflag:$0x1] =	stream.indirect.gather [hbm4b:s1+s23], $0x80, s9, s23, $0xb8;
	[tilespmem:$0x13F80] =	vst v63  }
0x94: {  	_ =	swait.ge [sflag:s28], $0x2800  }
.Ltmp6:
0x95: {  	[sflag:s28] =	ssyncset.done $0x0;
	(pc) =	sbr.rel @p1 .LBB2_7-.Ltmp6, $4  }
0x96: {  	s12 =	sadd.s32 $0x50, s10;
	[sflag:s28] =	ssyncadd.s32 $0xFFFFD800  }
0x97: {  	[spmem:s2] =	stream.indirect.scatter.add.f32 [tilespmem:s25], [sflag:$0x3], $0x80, s12, s23, $0xb8;
	[tilespmem:$0x13F80] =	vst v63  }
0x98: {  	_ =	swait.ge [sflag:s18], $0x2800  }
0x99: {  	s9 =	sadd.s32 $0xA0, s9;
	[sflag:s18] =	ssyncset.done $0x0  }
.LBB2_8:
0x9a: {  	s11 =	sadd.s32 $0xFFFFFFB0, s9;
	[sflag:s18] =	ssyncadd.s32 @p0 $0xFFFFD800  }
0x9b: {  	[tilespmem:s25], [sflag:$0x2] =	stream.indirect.gather [hbm4b:s1+s23], $0x80, s11, s23, $0xb8;
	[tilespmem:$0x13F80] =	vst v63  }
0x9c: {  	_ =	swait.ge [sflag:s26], $0x2800  }
0x9d: {  	s10 =	sadd.s32 @p0 $0xA0, s10;
	[sflag:s26] =	ssyncset.done $0x0  }
0x9e: {  	s8 =	smov.u32 @p0 s10;
	[sflag:s26] =	ssyncadd.s32 $0xFFFFD800  }
0x9f: {  	[spmem:s2] =	stream.indirect.scatter.add.f32 [tilespmem:s24], [sflag:$0x3], $0x80, s8, s23, $0xb8;
	[tilespmem:$0x13F80] =	vst v63  }
0xa0: {  	_ =	swait.ge [sflag:s18], $0x2800  }
0xa1: {  	[sflag:s18] =	ssyncset.done $0x0  }
0xa2: {  	[sflag:s18] =	ssyncadd.s32 $0xFFFFD800  }
0xa3: {  	[tilespmem:s24], [sflag:$0x1] =	stream.indirect.gather [hbm4b:s1+s23], $0x80, s9, s23, $0xb8;
	[tilespmem:$0x13F80] =	vst v63  }
0xa4: {  	_ =	swait.ge [sflag:s28], $0x2800  }
0xa5: {  	[sflag:s28] =	ssyncset.done $0x0  }
0xa6: {  	s8 =	sadd.s32 $0x50, s8;
	[sflag:s28] =	ssyncadd.s32 $0xFFFFD800  }
0xa7: {  	[spmem:s2] =	stream.indirect.scatter.add.f32 [tilespmem:s25], [sflag:$0x3], $0x80, s8, s23, $0xb8;
	[tilespmem:$0x13F80] =	vst v63  }
0xa8: {  	_ =	swait.ge [sflag:s18], $0x2800  }
0xa9: {  	[sflag:s18] =	ssyncset.done $0x0  }
0xaa: {  	[sflag:s18] =	ssyncadd.s32 $0xFFFFD800  }
.LBB2_9:
0xab: {  	s8 =	sand.u32 $0xFFFFFFFE, s4  }
0xac: {  	s6 =	ssub.s32 s6, s8  }
0xad: {  	p0 =	sne.s32 s6, $0x2  }
0xae: {  	s6 =	simm.s32 @p0 $0x1  }
0xaf: {  	s8 =	smul.u32 @p0 $0x280, s0;
	_ =	swait.ge @p0 [sflag:s6], $0x2800  }
0xb0: {  	s9 =	simm.s32 @p0 $0x4F80;
	[sflag:s6] =	ssyncset.done @p0 $0x0  }
0xb1: {  	s4 =	smul.u32 @!p0 $0x50, s4;
	[sflag:s6] =	ssyncadd.s32 @p0 $0xFFFFD800;
	s6 =	sshra.s32 @p0 s8, $0x2  }
0xb2: {  	s0 =	smul.u32 @!p0 $0x280, s0;
	s8 =	simm.s32 @p0 $0x50;
	s6 =	sadd.s32 @p0 $0x2780, s6  }
0xb3: {  	[spmem:s2] =	stream.indirect.scatter.add.f32 @p0 [tilespmem:s9], [sflag:$0x3], $0x80, s6, s8, $0xb8;
	[tilespmem:$0x13F80] =	vst v63  }
0xb4: {  	s6 =	simm.s32 @!p0 $0x50;
	s8 =	simm.s32 @!p0 $0x7780;
	s9 =	simm.s32 @!p0 $0x1  }
0xb5: {  	[tilespmem:s8], [sflag:$0x2] =	stream.indirect.gather @!p0 [hbm4b:s1+s6], $0x80, s4, s6, $0xb8;
	[tilespmem:$0x13F80] =	vst v63  }
0xb6: {  	_ =	swait.ge @!p0 [sflag:s9], $0x2800  }
0xb7: {  	s0 =	sshra.s32 @!p0 s0, $0x2;
	[sflag:s9] =	ssyncset.done @!p0 $0x0  }
0xb8: {  	s0 =	sadd.s32 @!p0 $0x2780, s0;
	[sflag:s9] =	ssyncadd.s32 @!p0 $0xFFFFD800;
	s9 =	simm.s32 @!p0 $0x4F80  }
0xb9: {  	[spmem:s2] =	stream.indirect.scatter.add.f32 @!p0 [tilespmem:s9], [sflag:$0x3], $0x80, s0, s6, $0xb8;
	[tilespmem:$0x13F80] =	vst v63  }
0xba: {  	s0 =	simm.s32 @!p0 $0x3  }
0xbb: {  	_ =	swait.ge @!p0 [sflag:s0], $0x2800  }
0xbc: {  	[sflag:s0] =	ssyncset.done @!p0 $0x0  }
0xbd: {  	[sflag:s0] =	ssyncadd.s32 @!p0 $0xFFFFD800;
	s0 =	simm.s32 @!p0 $0x2  }
0xbe: {  	_ =	swait.ge @!p0 [sflag:s0], $0x2800  }
0xbf: {  	[sflag:s0] =	ssyncset.done @!p0 $0x0  }
0xc0: {  	[sflag:s0] =	ssyncadd.s32 @!p0 $0xFFFFD800;
	s0 =	sadd.s32 @!p0 $0x2780, s4  }
0xc1: {  	[spmem:s2] =	stream.indirect.scatter.add.f32 @!p0 [tilespmem:s8], [sflag:$0x3], $0x80, s0, s6, $0xb8;
	[tilespmem:$0x13F80] =	vst v63  }
0xc2: {  	_ =	swait.ge [sflag:s18], $0x2800  }
0xc3: {  	[sflag:s18] =	ssyncset.done $0x0  }
0xc4: {  	[sflag:s18] =	ssyncadd.s32 $0xFFFFD800  }
.LBB2_10:
0xc5: {  	s0 =	rddreg [dreg:$0x9]  }
0xc6: {  	[tilespmem:s3], [sflag:$0x3] =	stream.strided.gather [hbm4b:s0+s19], $0x2780, s20, s19, $0x38;
	[tilespmem:$0x13F80] =	vst v63  }
0xc7: {  	_ =	swait.ge [sflag:s18], $0x2780  }
0xc8: {  	[sflag:s18] =	ssyncset.done $0x0  }
0xc9: {  	[sflag:s18] =	ssyncadd.s32 $0xFFFFD880  }
0xca: {  	[tilespmem:s21], [sflag:$0x3] =	stream.strided.gather [hbm4b:s13+s19], $0x2780, s20, s19, $0x38;
	[tilespmem:$0x13F80] =	vst v63  }
0xcb: {  	_ =	swait.ge [sflag:s18], $0x2780  }
0xcc: {  	[sflag:s18] =	ssyncset.done $0x0  }
0xcd: {  	[sflag:s18] =	ssyncadd.s32 $0xFFFFD880  }
0xce: {  	[tilespmem:s22], [sflag:$0x3] =	stream.linear.gather [hbm4b:s14+s3], $0x80, $0x38;
	[tilespmem:$0x13F80] =	vst v63  }
0xcf: {  	_ =	swait.ge [sflag:s18], $0x80  }
0xd0: {  	[sflag:s18] =	ssyncset.done $0x0  }
0xd1: {  	[sflag:s18] =	ssyncadd.s32 $0xFFFFFF80  }
0xd2: {  	v0 =	vld [tilespmem:$0x4F00];
	_ =	sdelay $0x4  }
0xd3: {  	(v2sf) =	vpush v0, $0x0;
	_ =	sdelay $0xe  }
0xd4: {  	s6 =	spop (v2sf)  }
0xd5: {  	p0 =	slt.s32 s6, $0x1  }
.Ltmp7:
0xd6: {  	_ = 	snop;
	(pc) =	sbr.rel @p0 .LBB2_19-.Ltmp7, $1  }
0xd7: {  	_ =	sdelay $0x3  }
0xd8: {  	s4 =	sadd.s32 $0xFFFFFFFF, s6  }
0xd9: {  	s0 =	sshrl.u32 s4, $0x1  }
0xda: {  	p0 =	seq.s32 s0, $0x0  }
.Ltmp8:
0xdb: {  	_ = 	snop;
	(pc) =	sbr.rel @p0 .LBB2_18-.Ltmp8, $2  }
0xdc: {  	_ =	sdelay $0x2  }
0xdd: {  	[tilespmem:s24], [sflag:$0x1] =	stream.indirect.gather [hbm4b:s1+s23], $0x80, s3, s23, $0xb8;
	[tilespmem:$0x13F80] =	vst v63  }
0xde: {  	p1 =	sne.s32 s0, $0x1  }
.Ltmp9:
0xdf: {  	_ = 	snop;
	(pc) =	sbr.rel @!p1 .LBB2_13-.Ltmp9, $3  }
0xe0: {  	_ =	sdelay $0x1  }
0xe1: {  	s9 =	simm.s32 $0xA0  }
0xe2: {  	s8 =	simm.s32 $0x2780;
	s10 =	sadd.s32 $0xFFFFFFFF, s0;
	p0 =	por $0x0, $0x0  }
0xe3: {  	s11 =	simm.s32 $0x50  }
0xe4: {  	[tilespmem:s25], [sflag:$0x2] =	stream.indirect.gather [hbm4b:s1+s23], $0x80, s11, s23, $0xb8;
	[tilespmem:$0x13F80] =	vst v63  }
0xe5: {  	_ =	swait.ge [sflag:s26], $0x2800  }
0xe6: {  	[sflag:s26] =	ssyncset.done $0x0  }
0xe7: {  	[sflag:s26] =	ssyncadd.s32 $0xFFFFD800  }
0xe8: {  	[spmem:s2] =	stream.indirect.scatter.add.f32 [tilespmem:s24], [sflag:$0x3], $0x80, s8, s23, $0xb8;
	[tilespmem:$0x13F80] =	vst v63  }
0xe9: {  	_ =	swait.ge [sflag:s18], $0x2800  }
0xea: {  	[sflag:s18] =	ssyncset.done $0x0  }
0xeb: {  	[sflag:s18] =	ssyncadd.s32 $0xFFFFD800  }
0xec: {  	[tilespmem:s24], [sflag:$0x1] =	stream.indirect.gather [hbm4b:s1+s23], $0x80, s9, s23, $0xb8;
	[tilespmem:$0x13F80] =	vst v63  }
0xed: {  	p1 =	sne.s32 s10, $0x1;
	_ =	swait.ge [sflag:s28], $0x2800  }
.Ltmp10:
0xee: {  	[sflag:s28] =	ssyncset.done $0x0;
	(pc) =	sbr.rel @!p1 .LBB2_15-.Ltmp10, $4  }
0xef: {  	s12 =	simm.s32 $0x27D0;
	[sflag:s28] =	ssyncadd.s32 $0xFFFFD800  }
0xf0: {  	[spmem:s2] =	stream.indirect.scatter.add.f32 [tilespmem:s25], [sflag:$0x3], $0x80, s12, s23, $0xb8;
	[tilespmem:$0x13F80] =	vst v63  }
0xf1: {  	p0 =	por $0x1, $0x1;
	s11 =	sadd.s32 $0xFFFFFFFF, s10;
	_ =	swait.ge [sflag:s18], $0x2800  }
0xf2: {  	s10 =	simm.s32 $0x2780;
	s9 =	simm.s32 $0x140;
	[sflag:s18] =	ssyncset.done $0x0  }
.LBB2_16:
0xf3: {  	s12 =	sadd.s32 $0xFFFFFFB0, s9;
	[sflag:s18] =	ssyncadd.s32 $0xFFFFD800;
	s10 =	sadd.s32 $0xA0, s10  }
0xf4: {  	[tilespmem:s25], [sflag:$0x2] =	stream.indirect.gather [hbm4b:s1+s23], $0x80, s12, s23, $0xb8;
	[tilespmem:$0x13F80] =	vst v63  }
0xf5: {  	p1 =	sne.s32 s11, $0x1;
	s11 =	sadd.s32 $0xFFFFFFFF, s11;
	_ =	swait.ge [sflag:s26], $0x2800  }
0xf6: {  	[sflag:s26] =	ssyncset.done $0x0  }
0xf7: {  	[sflag:s26] =	ssyncadd.s32 $0xFFFFD800  }
0xf8: {  	[spmem:s2] =	stream.indirect.scatter.add.f32 [tilespmem:s24], [sflag:$0x3], $0x80, s10, s23, $0xb8;
	[tilespmem:$0x13F80] =	vst v63  }
0xf9: {  	_ =	swait.ge [sflag:s18], $0x2800  }
0xfa: {  	[sflag:s18] =	ssyncset.done $0x0  }
0xfb: {  	[sflag:s18] =	ssyncadd.s32 $0xFFFFD800  }
0xfc: {  	[tilespmem:s24], [sflag:$0x1] =	stream.indirect.gather [hbm4b:s1+s23], $0x80, s9, s23, $0xb8;
	[tilespmem:$0x13F80] =	vst v63  }
0xfd: {  	_ =	swait.ge [sflag:s28], $0x2800  }
.Ltmp11:
0xfe: {  	[sflag:s28] =	ssyncset.done $0x0;
	(pc) =	sbr.rel @p1 .LBB2_16-.Ltmp11, $4  }
0xff: {  	s12 =	sadd.s32 $0x50, s10;
	[sflag:s28] =	ssyncadd.s32 $0xFFFFD800  }
0x100: {  	[spmem:s2] =	stream.indirect.scatter.add.f32 [tilespmem:s25], [sflag:$0x3], $0x80, s12, s23, $0xb8;
	[tilespmem:$0x13F80] =	vst v63  }
0x101: {  	_ =	swait.ge [sflag:s18], $0x2800  }
0x102: {  	s9 =	sadd.s32 $0xA0, s9;
	[sflag:s18] =	ssyncset.done $0x0  }
.Ltmp12:
0x103: {  	_ = 	snop;
	(pc) =	sbr.rel .LBB2_17-.Ltmp12, $1  }
0x104: {  	_ =	sdelay $0x3  }
.LBB2_4:
.Ltmp13:
0x105: {  	(pc) =	sbr.rel .LBB2_8-.Ltmp13, $2  }
0x106: {  	_ =	sdelay $0x2  }
0x107: {  	s10 =	simm.s32 $0x2780  }
.LBB2_6:
.Ltmp14:
0x108: {  	(pc) =	sbr.rel .LBB2_8-.Ltmp14, $2  }
0x109: {  	_ =	sdelay $0x2  }
0x10a: {  	s10 =	simm.s32 $0x2780  }
.LBB2_15:
.Ltmp15:
0x10b: {  	(pc) =	sbr.rel .LBB2_17-.Ltmp15, $2  }
0x10c: {  	_ =	sdelay $0x2  }
0x10d: {  	s10 =	simm.s32 $0x2780  }
.LBB2_20:
0x10e: {  	_ =	sfence.sel $0x180000  }
0x10f: {  	[bflag:$0x0] =	sbarrier.arrive $0xFFFF  }
0x110: {  	_ =	strace $0x9000004A  }
0x111: {  	s0 =	stileid.u32;
	[bflag:$0x2] =	sbarrier.arrive $0xFFFF  }
0x112: {  	p0 =	sne.s32 s0, $0x0;
	s0 =	rddreg [dreg:$0x3]  }
0x113: {  	s0 =	sadd.s32 @!p0 $0x100000, s0  }
0x114: {  	[sflag:s0] =	ssyncadd.tile.s32 @!p0 $0x1;
	_ =	shalt  }
.Lfunc_end2:
_tile_overlayer_lowered:
.L_overlay_start_2:
0x115: {  	(tag) =	ssettag $0x2  }
0x116: {  	s0 =	rddreg [dreg:$0x0];
	s2 =	stileid.u32  }
0x117: {  	s1 =	rddreg [dreg:$0x1];
	p0 =	sne.s32 s2, $0x0  }
0x118: {  	s3 =	rddreg [dreg:$0x2];
	[bflag:$0x3] =	sbarrier.arrive $0xFFFF;
	s2 =	simm.s32 @!p0 $0x1C03  }
0x119: {  	[timem:s3], [sflag:s2] =	dma.local @!p0 [hbm:s0], s1  }
0x11a: {  	s0 =	simm.s32 @!p0 $0x3  }
0x11b: {  	_ =	swait.ge @!p0 [sflag:s0], s1  }
0x11c: {  	s1 =	ssub.s32 @!p0 $0x0, s1;
	[sflag:s0] =	ssyncset.done @!p0 $0x0  }
0x11d: {  	[sflag:s0] =	ssyncadd.s32 @!p0 s1  }
0x11e: {  	[bflag:$0x3] =	sbarrier.arrive $0xFFFF  }
0x11f: {  	_ =	shalt  }

// kernel: kernel.7.cloned.1.call-start
scs
__scs_entry_jumppad:
0x0: {  	(pc) =	sbr.rel $0x88, $3  }
0x1: {  	(tag) =	ssettag $0x0;
	lr =	simm.s32 $0x1  }
0x2: {  	[smem:$0x3F9D] =	sst lr;
	_ =	strace $0xD0000000  }
0x3: {  	_ = 	snop  }
0x4: {  	_ = 	snop  }
0x5: {  	_ = 	snop  }
0x6: {  	_ = 	snop  }
0x7: {  	_ = 	snop  }
__scs_overlays_trampoline_lowered:
0x8: {  	[smem:$0x3FAC] =	sst s0  }
0x9: {  	[smem:$0x3FAD] =	sst s1  }
0xa: {  	[smem:$0x3FAE] =	sst s2  }
0xb: {  	[smem:$0x3FAF] =	sst s3  }
0xc: {  	[smem:$0x3FB0] =	sst s4  }
0xd: {  	[smem:$0x3FB1] =	sst s5  }
0xe: {  	[smem:$0x3FB2] =	sst s6  }
0xf: {  	[smem:$0x3FB3] =	sst s7  }
0x10: {  	[smem:$0x3FB4] =	sst s8  }
0x11: {  	[smem:$0x3FB5] =	sst s9;
	s0 =	simm.s32 @!p0 $0x0  }
0x12: {  	s1 =	sld [smem:$0x3F9B];
	s0 =	simm.s32 @p0 $0x1  }
0x13: {  	[smem:$0x3FB6] =	sst s0;
	s0 =	simm.s32 @!p1 $0x0  }
0x14: {  	s2 =	sld [smem:$0x3F9A];
	s0 =	simm.s32 @p1 $0x1  }
0x15: {  	[smem:$0x3FB7] =	sst s0;
	s0 =	simm.s32 @!p2 $0x0  }
0x16: {  	s3 =	sld [smem:$0x3FDB];
	s0 =	simm.s32 @p2 $0x1  }
0x17: {  	s4 =	simm.s32 $0x1BF5;
	[smem:$0x3FB9] =	sst s0  }
0x18: {  	s0 =	sld [smem:$0x3F9C];
	_ =	swait.ge [sflag:s4], $0x0  }
0x19: {  	s7 =	sld [smem:$0x3F9D]  }
0x1a: {  	s8 =	sadd.s32 $0xFFFFE003, lr  }
0x1b: {  	s9 =	sadd.s32 $0xFFFFFEF7, lr;
	s5 =	simm.s32 $0xFFFFFFFF;
	p2 =	slt.u32 s8, $0xFFFFF086  }
0x1c: {  	p1 =	slt.u32 s9, $0xF7A;
	s5 =	simm.s32 @!p2 $0x0  }
0x1d: {  	s5 =	simm.s32 @p1 $0x1;
	p0 =	seq.s32 s7, s2  }
0x1e: {  	s7 =	smul.u32 @!p0 $0xF7A, s2;
	p2 =	seq.s32 @!p0 s5, $0x0  }
0x1f: {  	s9 =	smul.u32 $0xF7A, s1;
	s8 =	simm.s32 @!p0 $0x1BF5;
	p2 =	por !p2, p0  }
0x20: {  	[sflag:s8] =	ssyncset.s32 @!p0 $0xFFFFF086;
	s6 =	sadd.s32 @!p0 s3, s7;
	s7 =	simm.s32 @!p0 $0x108  }
0x21: {  	s3 =	sadd.s32 s3, s9;
	s6 =	sadd.s32 @!p0 $0x88, s6;
	s7 =	simm.s32 @p2 $0x1082  }
0x22: {  	[simem:s7], [sflag:s8] =	dma.local @!p0 [hbm:s6], $0xF7A  }
0x23: {  	s9 =	sor.u32 $0xD0000000, s2;
	s6 =	simm.s32 $0x108;
	_ =	swait.ge @!p0 [sflag:s8], $0x0  }
0x24: {  	s3 =	sadd.s32 $0x88, s3;
	s6 =	simm.s32 @!p1 $0x1082;
	[sflag:s4] =	ssyncset.s32 $0xFFFFF086  }
0x25: {  	[simem:s6], [sflag:s4] =	dma.local [hbm:s3], $0xF7A  }
0x26: {  	[smem:$0x3F9D] =	sst s1;
	(tag) =	ssettag s2;
	_ =	strace s9  }
0x27: {  	s1 =	sld [smem:$0x3FAD]  }
0x28: {  	s2 =	sld [smem:$0x3FAE]  }
0x29: {  	s4 =	sld [smem:$0x3FB0]  }
0x2a: {  	p0 =	seq.s32 s5, $0x0;
	s5 =	sld [smem:$0x3FB1]  }
0x2b: {  	s6 =	sld [smem:$0x3FB2]  }
0x2c: {  	s7 =	sld [smem:$0x3FB3]  }
0x2d: {  	s3 =	simm.s32 $0x108;
	s8 =	sld [smem:$0x3FB4]  }
0x2e: {  	s3 =	simm.s32 @!p0 $0x1082;
	s9 =	sld [smem:$0x3FB5]  }
0x2f: {  	lr =	sadd.s32 s0, s3;
	s0 =	sld [smem:$0x3FAC]  }
0x30: {  	s3 =	sld [smem:$0x3FAF]  }
0x31: {  	[smem:$0x3FB8] =	sst s10  }
0x32: {  	s10 =	sld [smem:$0x3FB6];
	_ =	sdelay $0x3  }
0x33: {  	p0 =	seq.s32 s10, $0x1;
	s10 =	sld [smem:$0x3FB8];
	_ =	sdelay $0x3  }
0x34: {  	[smem:$0x3FB8] =	sst s10  }
0x35: {  	s10 =	sld [smem:$0x3FB7];
	_ =	sdelay $0x3  }
0x36: {  	p1 =	seq.s32 s10, $0x1;
	s10 =	sld [smem:$0x3FB8];
	_ =	sdelay $0x3  }
0x37: {  	[smem:$0x3FB8] =	sst s10  }
0x38: {  	s10 =	sld [smem:$0x3FB9]  }
0x39: {  	_ = 	snop;
	(pc) =	sbr.ind lr, $3  }
0x3a: {  	_ = 	snop  }
0x3b: {  	_ = 	snop  }
0x3c: {  	p2 =	seq.s32 s10, $0x1;
	s10 =	sld [smem:$0x3FB8]  }
0x3d: {  	_ =	shalt  }
0x3e: {  	_ =	shalt  }
0x3f: {  	_ =	shalt  }
0x40: {  	_ =	shalt  }
0x41: {  	_ =	shalt  }
0x42: {  	_ =	shalt  }
0x43: {  	_ =	shalt  }
0x44: {  	_ =	shalt  }
0x45: {  	_ =	shalt  }
0x46: {  	_ =	shalt  }
0x47: {  	_ =	shalt  }
0x48: {  	_ =	shalt  }
0x49: {  	_ =	shalt  }
0x4a: {  	_ =	shalt  }
0x4b: {  	_ =	shalt  }
0x4c: {  	_ =	shalt  }
0x4d: {  	_ =	shalt  }
0x4e: {  	_ =	shalt  }
0x4f: {  	_ =	shalt  }
0x50: {  	_ =	shalt  }
0x51: {  	_ =	shalt  }
0x52: {  	_ =	shalt  }
0x53: {  	_ =	shalt  }
0x54: {  	_ =	shalt  }
0x55: {  	_ =	shalt  }
0x56: {  	_ =	shalt  }
0x57: {  	_ =	shalt  }
0x58: {  	_ =	shalt  }
0x59: {  	_ =	shalt  }
0x5a: {  	_ =	shalt  }
0x5b: {  	_ =	shalt  }
0x5c: {  	_ =	shalt  }
0x5d: {  	_ =	shalt  }
0x5e: {  	_ =	shalt  }
0x5f: {  	_ =	shalt  }
0x60: {  	_ =	shalt  }
0x61: {  	_ =	shalt  }
0x62: {  	_ =	shalt  }
0x63: {  	_ =	shalt  }
0x64: {  	_ =	shalt  }
0x65: {  	_ =	shalt  }
0x66: {  	_ =	shalt  }
0x67: {  	_ =	shalt  }
0x68: {  	_ =	shalt  }
0x69: {  	_ =	shalt  }
0x6a: {  	_ =	shalt  }
0x6b: {  	_ =	shalt  }
0x6c: {  	_ =	shalt  }
0x6d: {  	_ =	shalt  }
0x6e: {  	_ =	shalt  }
0x6f: {  	_ =	shalt  }
0x70: {  	_ =	shalt  }
0x71: {  	_ =	shalt  }
0x72: {  	_ =	shalt  }
0x73: {  	_ =	shalt  }
0x74: {  	_ =	shalt  }
0x75: {  	_ =	shalt  }
0x76: {  	_ =	shalt  }
0x77: {  	_ =	shalt  }
0x78: {  	_ =	shalt  }
0x79: {  	_ =	shalt  }
0x7a: {  	_ =	shalt  }
0x7b: {  	_ =	shalt  }
0x7c: {  	_ =	shalt  }
0x7d: {  	_ =	shalt  }
0x7e: {  	_ =	shalt  }
0x7f: {  	_ =	shalt  }
0x80: {  	_ =	shalt  }
0x81: {  	_ =	shalt  }
0x82: {  	_ =	shalt  }
0x83: {  	_ =	shalt  }
0x84: {  	_ =	shalt  }
0x85: {  	_ =	shalt  }
0x86: {  	_ =	shalt  }
0x87: {  	_ =	shalt  }
.Lfunc_end0:
.L_simem_size_0:
called_computation_lowered:
.L_overlay_start_0:
0x88: {  	s2 =	sld [smem:$0x3FD9]  }
0x89: {  	s3 =	sld [smem:$0x3FFE];
	_ =	sdelay $0x1  }
0x8a: {  	s1 =	srdreg.scid  }
0x8b: {  	s0 =	sand.u32 $0x1, s1  }
0x8c: {  	s17 =	sshll.u32 s0, $0xA;
	s2 =	sadd.s32 s3, s2  }
0x8d: {  	s2 =	sadd.s32 s2, s17  }
0x8e: {  	[smem:$0x3FC4] =	sst s2  }
0x8f: {  	_ = 	snop  }
0x90: {  	s2 =	sld [smem:$0x3FD0];
	(tm) =	ssettm $0x1  }
0x91: {  	s18 =	sld [smem:$0x3FFB];
	_ =	sdelay $0x3  }
0x92: {  	_ =	strace s18  }
0x93: {  	s3 =	sld [smem:$0x3FFC];
	_ =	sdelay $0x3  }
0x94: {  	_ =	strace s3  }
0x95: {  	s3 =	sld [smem:$0x3FFD];
	_ =	sdelay $0x3  }
0x96: {  	_ =	strace s3  }
0x97: {  	_ =	strace $0x8FFFFFFF  }
0x98: {  	s19 =	sld [smem:$0x3FDB];
	_ =	sdelay $0x1  }
0x99: {  	s4 =	simm.s32 $_scs_section_size  }
0x9a: {  	s5 =	simm.s32 $_size__tile_overlayer_lowered;
	s6 =	simm.s32 $_tile_overlayer_lowered  }
0x9b: {  	s22 =	simm.s32 $0x1BFF;
	s21 =	sshll.u32 s6, $0x1;
	s3 =	sadd.s32 s4, s19  }
0x9c: {  	s7 =	simm.s32 $0x0;
	s20 =	sshll.u32 s5, $0x1;
	s5 =	sadd.s32 s21, s3  }
0x9d: {  	[timem:s7], [sflag:s22] =	dma.local [hbm:s5], s20  }
0x9e: {  	_ =	swait.ge [sflag:s22], s20  }
0x9f: {  	s4 =	ssub.s32 $0x0, s20;
	[sflag:s22] =	ssyncset.done $0x0  }
0xa0: {  	[sflag:s22] =	ssyncadd.s32 s4;
	_ =	sdelay $0x1  }
0xa1: {  	s23 =	simm.s32 $0x1B8B  }
0xa2: {  	_ =	swait.ge [sflag:s23], $0x1  }
0xa3: {  	[sflag:s23] =	ssyncset.done $0x0  }
0xa4: {  	s25 =	simm.s32 $0x1B8E;
	s24 =	sld [smem:$0x3FFE];
	[sflag:s23] =	ssyncadd.s32 $0xFFFFFFFF  }
0xa5: {  	s26 =	simm.s32 $execute0_lowered;
	[smem:$0x3FD2] =	sst s25  }
0xa6: {  	s5 =	sshll.u32 s26, $0x1;
	_ =	strace $0x80000046;
	[dreg:$0x1] =	wrdreg $0xFFFFFFFF  }
0xa7: {  	s28 =	simm.s32 $_size_execute0_lowered;
	s3 =	sadd.s32 s3, s5;
	[dreg:$0x0] =	wrdreg $0x0  }
0xa8: {  	s5 =	sshll.u32 s28, $0x1;
	[dreg:$0x2] =	wrdreg s3  }
0xa9: {  	[dreg:$0x3] =	wrdreg s5  }
0xaa: {  	[dreg:$0x4] =	wrdreg $0xC0  }
0xab: {  	_ =	task [dreg:s7], $0x5FFFF  }
0xac: {  	[dreg:$0x1] =	wrdreg $0xFFFFFFFF  }
0xad: {  	[dreg:$0x0] =	wrdreg $0x60  }
0xae: {  	[dreg:$0x2] =	wrdreg s24  }
0xaf: {  	[dreg:$0x3] =	wrdreg s2  }
0xb0: {  	[dreg:$0x4] =	wrdreg $0x9  }
0xb1: {  	_ =	task.clear_ibuf [dreg:s7], $0x5FFFF;
	_ =	strace $0x90000046  }
0xb2: {  	s29 =	simm.s32 $0x9;
	_ =	strace $0x80000048  }
0xb3: {  	_ =	swait.ge [sflag:s29], $0x1  }
0xb4: {  	[sflag:s29] =	ssyncadd.s32 $0xFFFFFFFF  }
0xb5: {  	_ =	strace $0x90000048  }
0xb6: {  	_ =	sfence  }
0xb7: {  	s30 =	sld [smem:$0x0];
	_ =	sdelay $0x2  }
0xb8: {  	s31 =	sshll.u32 s1, $0xD;
	s1 =	sshrl.u32 s1, $0x2  }
0xb9: {  	s3 =	sand.u32 $0x4000, s31;
	s1 =	sadd.s32 s1, s30  }
0xba: {  	s0 =	sor.u32 s3, s0;
	s1 =	sshll.u32 s1, $0x11  }
0xbb: {  	s0 =	sor.u32 s1, s0  }
0xbc: {  	s0 =	sadd.s32 $0x8F2B, s0  }
0xbd: {  	[sflag:s0] =	ssyncadd.remote.s32 $0x1  }
0xbe: {  	_ =	sfence.sel $0xFFFF  }
0xbf: {  	[dreg:$0x0] =	wrdreg $0xFFFFFFFF;
	(pc) =	sbr.abs _section_cstart, $3  }
0xc0: {  	[dreg:$0x1] =	wrdreg $0xFFFFFFFF  }
0xc1: {  	_ =	task.clear_ibuf [dreg:s7], $0x2FFFF;
	_ =	strace $0x9FFFFFFF  }
0xc2: {  	(tm) =	ssettm $0x7FFFFFFF  }
0xc3: {  	_ =	shalt  }
tec
execute0_lowered:
.L_overlay_start_1:
0x0: {  	(tag) =	ssettag $0x1  }
0x1: {  	s1 =	srdreg.scid  }
0x2: {  	s0 =	stileid.u32;
	s7 =	rddreg [dreg:$0x0]  }
0x3: {  	s8 =	rddreg [dreg:$0x1];
	s2 =	simm.s32 $0x0;
	s16 =	simm.s32 $0x80  }
0x4: {  	s17 =	simm.s32 $0x400;
	s18 =	simm.s32 $0x2780;
	s19 =	simm.s32 $0x100  }
0x5: {  	s20 =	simm.s32 $0x7700;
	s21 =	simm.s32 $0x9E80;
	s22 =	simm.s32 $0xC600  }
0x6: {  	s23 =	simm.s32 $0xED80;
	s24 =	simm.s32 $0x11500;
	s25 =	simm.s32 $0x0  }
0x7: {  	s4 =	sand.u32 $0x1, s1;
	s28 =	sshll.u32 s0, $0x1;
	s6 =	sshrl.u32 s0, $0x2  }
0x8: {  	[smem:$0x7FF] =	sst s2;
	s12 =	sadd.s32 $0x16000, s7;
	s13 =	sadd.s32 $0x29C00, s7  }
0x9: {  	s5 =	sor.u32 s4, s28;
	s3 =	smul.u32 $0x13C00, s6;
	s11 =	sshll.u32 s6, $0xA  }
0xa: {  	s4 =	ssub.s32 $0x2, s4;
	s6 =	smul.u32 $0x14000, s6;
	s1 =	sshll.u32 s5, $0x7  }
0xb: {  	s29 =	sshrl.u32 s4, $0x1;
	s30 =	smul.u32 $0x9E0, s5;
	s9 =	sand.u32 $0x380, s1  }
0xc: {  	_ =	strace $0x80000047;
	s15 =	ssub.s32 s4, s29;
	s3 =	sor.u32 s3, s9  }
0xd: {  	s11 =	sor.u32 s11, s9;
	s6 =	sor.u32 s6, s9;
	s31 =	sor.u32 $0x10, s30  }
0xe: {  	s9 =	sadd.s32 s13, s30;
	s3 =	sshrl.u32 s3, $0x3;
	s11 =	sshrl.u32 s11, $0x3  }
0xf: {  	s6 =	sshrl.u32 s6, $0x3;
	s10 =	sadd.s32 s3, s7;
	s3 =	sadd.s32 $0x15A00, s7  }
0x10: {  	s14 =	sadd.s32 s11, s7;
	s6 =	sadd.s32 s8, s6;
	s7 =	sadd.s32 s12, s30  }
0x11: {  	s8 =	sadd.s32 s12, s31;
	s4 =	sadd.s32 $0xBC00, s10;
	s5 =	sadd.s32 $0x1E00, s10  }
0x12: {  	s10 =	sadd.s32 s13, s31;
	s11 =	sadd.s32 $0x3D800, s14;
	s12 =	sadd.s32 $0x3DA00, s14  }
0x13: {  	v0 =	vimm.f32 $1.000000000e+00;
	v1 =	vimm.s32 $0x0;
	v2 =	vimm.s32 $0x13FF;
	s13 =	smax.u32 s15, $0x1;
	s14 =	simm.s32 $0x4F00;
	s15 =	simm.s32 $0x1  }
.LBB2_1:
0x14: {  	[tilespmem:s14], [sflag:$0x1] =	stream.linear.gather [hbm4b:s3+s2], $0x2800, $0x38;
	[tilespmem:$0x11580] =	vst v63  }
0x15: {  	_ =	swait.ge [sflag:s15], $0x2800  }
0x16: {  	[sflag:s15] =	ssyncset.done $0x0  }
0x17: {  	[sflag:s15] =	ssyncadd.s32 $0xFFFFD800  }
0x18: {  	[tilespmem:s2], [sflag:$0x1] =	stream.strided.gather [hbm4b:s4+s16], $0x2780, s17, s16, $0x38;
	[tilespmem:$0x11580] =	vst v63  }
0x19: {  	_ =	swait.ge [sflag:s15], $0x2780  }
0x1a: {  	[sflag:s15] =	ssyncset.done $0x0  }
0x1b: {  	[sflag:s15] =	ssyncadd.s32 $0xFFFFD880  }
0x1c: {  	[tilespmem:s18], [sflag:$0x1] =	stream.strided.gather [hbm4b:s5+s16], $0x2780, s17, s16, $0x38;
	[tilespmem:$0x11580] =	vst v63  }
0x1d: {  	_ =	swait.ge [sflag:s15], $0x2780  }
0x1e: {  	[sflag:s15] =	ssyncset.done $0x0  }
0x1f: {  	s26 =	simm.s32 $0x0;
	[sflag:s15] =	ssyncadd.s32 $0xFFFFD880  }
0x20: {  	v3 =	vld [tilespmem:s26+$0x2780];
	_ =	sdelay $0x6  }
0x21: {  	v4 =	vld [tilespmem:s26+$0x0];
	vm0 =	vlt.s32 v3, $0x1388;
	v5 =	vadd.s32 $0xFFFFEC78, v3  }
0x22: {  	vm1 =	vge.s32 v3, $0x1388;
	v5 =	vsel vm0, v3, v5;
	[tilespmem:v3+s14+$0x0] =	vst.idx.add.f32.msk $0xffff, v0;
	v3 =	vmpcnt.ones.xlane vm0;
	_ =	sdelay $0x1  }
0x23: {  	(v2sf) =	vpush v3, $0x0;
	_ =	sdelay $0x2  }
0x24: {  	[tilespmem:s2+$0x7700] =	vst.msk vm0, v4  }
0x25: {  	[tilespmem:s2+$0xC600] =	vst.msk vm0, v5  }
0x26: {  	[tilespmem:s2+$0x9E80] =	vst.msk vm1, v4  }
0x27: {  	s30 =	simm.s32 $0x10;
	[tilespmem:s2+$0xED80] =	vst.msk vm1, v5  }
0x28: {  	s29 =	simm.s32 $0x80;
	s28 =	simm.s32 $0x0;
	s26 =	simm.s32 $0x0;
	v3 =	vld [tilespmem:s30+$0x0]  }
.LBB2_2:
0x29: {  	p0 =	sne.s32 s29, $0x9C00;
	v4 =	vld [tilespmem:s30+$0x2780];
	_ =	sdelay $0x4  }
0x2a: {  	vm0 =	vge.s32 v4, $0x1388;
	vm1 =	vlt.s32 v4, $0x1388;
	v5 =	vadd.s32 $0xFFFFEC78, v4  }
0x2b: {  	v5 =	vsel vm1, v4, v5;
	v6 =	vmpcnt.ones.xlane vm1  }
0x2c: {  	s30 =	spop (v2sf)  }
0x2d: {  	[tilespmem:v4+s14+$0x0] =	vst.idx.add.f32.msk $0xffff, v0;
	(v2sf) =	vpush v6, $0x0;
	s26 =	sadd.s32 s26, s30;
	s28 =	ssub.s32 s28, s30  }
0x2e: {  	[tilespmem:s26+$0x7700] =	vst.msk vm1, v3;
	s28 =	sadd.s32 $0x10, s28  }
0x2f: {  	[tilespmem:s26+$0xC600] =	vst.msk vm1, v5  }
.Ltmp0:
0x30: {  	[tilespmem:s28+$0x9E80] =	vst.msk vm0, v3;
	(pc) =	sbr.rel @p0 .LBB2_2-.Ltmp0, $3  }
0x31: {  	s30 =	sshra.s32 s29, $0x2;
	[tilespmem:s28+$0xED80] =	vst.msk vm0, v5  }
0x32: {  	v3 =	vld [tilespmem:s30+$0x0];
	_ =	sdelay $0x1  }
0x33: {  	s29 =	sadd.s32 $0x40, s29  }
0x34: {  	v4 =	vld [tilespmem:s30+$0x2780];
	_ =	sdelay $0x4  }
0x35: {  	vm0 =	vlt.s32 v4, $0x1388  }
0x36: {  	v5 =	vmpcnt.ones.xlane vm0;
	_ =	sdelay $0x1  }
0x37: {  	(v2sf) =	vpush v5, $0x0;
	_ =	sdelay $0xa  }
0x38: {  	s29 =	spop (v2sf)  }
0x39: {  	v63 =	vadd.s32 $0xFFFFEC78, v4;
	[tilespmem:v4+s14+$0x0] =	vst.idx.add.f32.msk $0xffff, v0;
	s26 =	sadd.s32 s26, s29  }
0x3a: {  	v5 =	vsel vm0, v4, v63;
	s28 =	ssub.s32 s28, s29;
	[tilespmem:s26+$0x7700] =	vst.msk vm0, v3  }
0x3b: {  	vm1 =	vge.s32 v4, $0x1388;
	s28 =	sadd.s32 $0x10, s28;
	[tilespmem:s26+$0xC600] =	vst.msk vm0, v5  }
0x3c: {  	[tilespmem:s28+$0x9E80] =	vst.msk vm1, v3;
	s1 =	spop (v2sf)  }
0x3d: {  	[tilespmem:s28+$0xED80] =	vst.msk vm1, v5;
	s30 =	sadd.s32 s26, s1  }
0x3e: {  	s31 =	ssub.s32 s28, s1;
	[tilespmem:s30+$0x7700] =	vst v1  }
0x3f: {  	s26 =	sadd.s32 $0x10, s31;
	[tilespmem:s30+$0xC600] =	vst v2  }
0x40: {  	[tilespmem:s26+$0x9E80] =	vst v1  }
0x41: {  	[tilespmem:s26+$0xED80] =	vst v2  }
0x42: {  	[tilespmem:s30+$0x7710] =	vst v1  }
0x43: {  	[tilespmem:s30+$0xC610] =	vst v2  }
0x44: {  	[tilespmem:s26+$0x9E90] =	vst v1  }
0x45: {  	[tilespmem:s26+$0xED90] =	vst v2  }
0x46: {  	[tilespmem:s30+$0x7720] =	vst v1  }
0x47: {  	[tilespmem:s30+$0xC620] =	vst v2  }
0x48: {  	[tilespmem:s26+$0x9EA0] =	vst v1  }
0x49: {  	[tilespmem:s26+$0xEDA0] =	vst v2  }
0x4a: {  	[tilespmem:s30+$0x7730] =	vst v1  }
0x4b: {  	[tilespmem:s30+$0xC630] =	vst v2  }
0x4c: {  	[tilespmem:s26+$0x9EB0] =	vst v1  }
0x4d: {  	s28 =	sadd.s32 $0x4F, s30;
	[tilespmem:s26+$0xEDB0] =	vst v2  }
0x4e: {  	s1 =	smulhi.u32 $0x66666667, s28;
	s31 =	sshra.s32 s28, $0x1F;
	[tilespmem:s30+$0x7740] =	vst v1  }
0x4f: {  	s31 =	smul.u32 $0x66666667, s31;
	[tilespmem:s30+$0xC640] =	vst v2  }
0x50: {  	[tilespmem:s26+$0x9EC0] =	vst v1  }
0x51: {  	s29 =	sadd.s32 s31, s1;
	[tilespmem:s26+$0xEDC0] =	vst v2  }
0x52: {  	[hbm4b:s6+s16] =	stream.strided.scatter [tilespmem:s14], [sflag:$0x1], $0x2800, s17, s16, $0x38;
	[tilespmem:$0x11580] =	vst v63  }
0x53: {  	s31 =	sshrl.u32 s29, $0x1F;
	s29 =	sshra.s32 s29, $0x5;
	_ =	swait.ge [sflag:s15], $0x2800  }
0x54: {  	s29 =	sadd.s32 s31, s29;
	[sflag:s15] =	ssyncset.done $0x0  }
0x55: {  	s31 =	smul.u32 $0xFFFFFFB0, s29;
	[sflag:s15] =	ssyncadd.s32 $0xFFFFD800  }
0x56: {  	[hbm4b:s7+s16] =	stream.strided.scatter [tilespmem:s20], [sflag:$0x1], $0x2780, s19, s16, $0x38;
	[tilespmem:$0x11580] =	vst v63  }
0x57: {  	s30 =	ssub.s32 $0xFFFFFFB1, s30;
	_ =	swait.ge [sflag:s15], $0x2780  }
0x58: {  	p0 =	sne.s32 s31, s30;
	s30 =	sadd.s32 $0x4F, s26;
	[sflag:s15] =	ssyncset.done $0x0  }
0x59: {  	s31 =	smulhi.u32 $0x66666667, s30;
	s1 =	sshra.s32 s30, $0x1F;
	[sflag:s15] =	ssyncadd.s32 $0xFFFFD880  }
0x5a: {  	[hbm4b:s8+s16] =	stream.strided.scatter [tilespmem:s21], [sflag:$0x1], $0x2780, s19, s16, $0x38;
	[tilespmem:$0x11580] =	vst v63  }
0x5b: {  	s1 =	smul.u32 $0x66666667, s1;
	_ =	swait.ge [sflag:s15], $0x2780  }
0x5c: {  	p1 =	slt.s32 s28, $0x1;
	s26 =	ssub.s32 $0xFFFFFFB1, s26;
	[sflag:s15] =	ssyncset.done $0x0  }
0x5d: {  	p0 =	por !p1, !p0;
	s1 =	sadd.s32 s1, s31;
	[sflag:s15] =	ssyncadd.s32 $0xFFFFD880  }
0x5e: {  	[hbm4b:s9+s16] =	stream.strided.scatter [tilespmem:s22], [sflag:$0x1], $0x2780, s19, s16, $0x38;
	[tilespmem:$0x11580] =	vst v63  }
0x5f: {  	s28 =	sshrl.u32 s1, $0x1F;
	s1 =	sshra.s32 s1, $0x5;
	_ =	swait.ge [sflag:s15], $0x2780  }
0x60: {  	p0 =	por !p0, !p0;
	s1 =	sadd.s32 s28, s1;
	[sflag:s15] =	ssyncset.done $0x0  }
0x61: {  	s31 =	simm.s32 $0x1;
	s28 =	smul.u32 $0xFFFFFFB0, s1;
	[sflag:s15] =	ssyncadd.s32 $0xFFFFD880  }
0x62: {  	[hbm4b:s10+s16] =	stream.strided.scatter [tilespmem:s23], [sflag:$0x1], $0x2780, s19, s16, $0x38;
	[tilespmem:$0x11580] =	vst v63  }
0x63: {  	p5 =	slt.s32 s30, $0x1;
	s31 =	simm.s32 @!p0 $0x0;
	_ =	swait.ge [sflag:s15], $0x2780  }
0x64: {  	s29 =	ssub.s32 s29, s31;
	p6 =	sne.s32 s28, s26;
	[sflag:s15] =	ssyncset.done $0x0  }
0x65: {  	v3 =	vmov s29;
	p0 =	por !p5, !p6;
	[sflag:s15] =	ssyncadd.s32 $0xFFFFD880  }
0x66: {  	s26 =	simm.s32 $0x1;
	p0 =	por !p0, !p0;
	[tilespmem:$0x11500] =	vst v3  }
0x67: {  	[hbm4b:s11+s2] =	stream.linear.scatter [tilespmem:s24], [sflag:$0x1], $0x80, $0x38;
	[tilespmem:$0x11580] =	vst v63  }
0x68: {  	s26 =	simm.s32 @!p0 $0x0;
	_ =	swait.ge [sflag:s15], $0x80  }
0x69: {  	s25 =	sadd.s32 $0x1, s25;
	s1 =	ssub.s32 s1, s26;
	[sflag:s15] =	ssyncset.done $0x0  }
0x6a: {  	p0 =	sne.s32 s25, s13;
	v3 =	vmov s1;
	[sflag:s15] =	ssyncadd.s32 $0xFFFFFF80  }
.Ltmp1:
0x6b: {  	[tilespmem:$0x11500] =	vst v3;
	(pc) =	sbr.rel @p0 .LBB2_1-.Ltmp1, $4  }
0x6c: {  	[hbm4b:s12+s2] =	stream.linear.scatter [tilespmem:s24], [sflag:$0x1], $0x80, $0x38;
	[tilespmem:$0x11580] =	vst v63  }
0x6d: {  	_ =	swait.ge [sflag:s15], $0x80  }
0x6e: {  	[sflag:s15] =	ssyncset.done $0x0  }
0x6f: {  	[sflag:s15] =	ssyncadd.s32 $0xFFFFFF80  }
0x70: {  	_ =	sfence.sel $0x180000  }
0x71: {  	[bflag:$0x0] =	sbarrier.arrive $0xFFFF  }
0x72: {  	_ =	strace $0x90000047  }
0x73: {  	[bflag:$0x2] =	sbarrier.arrive $0xFFFF  }
0x74: {  	p0 =	sne.s32 s0, $0x0;
	s0 =	rddreg [dreg:$0x2]  }
0x75: {  	s0 =	sadd.s32 @!p0 $0x100000, s0  }
0x76: {  	[sflag:s0] =	ssyncadd.tile.s32 @!p0 $0x1;
	_ =	shalt  }
.Lfunc_end2:
_tile_overlayer_lowered:
.L_overlay_start_2:
0x77: {  	(tag) =	ssettag $0x2  }
0x78: {  	s0 =	rddreg [dreg:$0x0];
	s2 =	stileid.u32  }
0x79: {  	s1 =	rddreg [dreg:$0x1];
	p0 =	sne.s32 s2, $0x0  }
0x7a: {  	s3 =	rddreg [dreg:$0x2];
	[bflag:$0x3] =	sbarrier.arrive $0xFFFF;
	s2 =	simm.s32 @!p0 $0x1C01  }
0x7b: {  	[timem:s3], [sflag:s2] =	dma.local @!p0 [hbm:s0], s1  }
0x7c: {  	s0 =	simm.s32 @!p0 $0x1  }
0x7d: {  	_ =	swait.ge @!p0 [sflag:s0], s1  }
0x7e: {  	s1 =	ssub.s32 @!p0 $0x0, s1;
	[sflag:s0] =	ssyncset.done @!p0 $0x0  }
0x7f: {  	[sflag:s0] =	ssyncadd.s32 @!p0 s1  }
0x80: {  	[bflag:$0x3] =	sbarrier.arrive $0xFFFF  }
0x81: {  	_ =	shalt  }

</sc_bundles>
